<compile_context>
chip_gen: v7x
topology: tpu7x:2x2x1
jax: 0.10.2.dev20260603
libtpu: 0.0.44.dev20260713+nightly
codegen_flags: <defaults>
</compile_context>

<pallas_src>
import functools

import jax
import jax.numpy as jnp
from jax import lax
from jax.experimental import pallas as pl
from jax.experimental.pallas import tpu as pltpu
from jax.experimental.pallas import tpu_sc as plsc

N = 10000
E = 320000
C = 128
R = 4
OUT = 128

NC = 2
NS = 16
NW = NC * NS

K = 128
CH_TOT = 2560
EPAD = CH_TOT * K
CHUNKS = CH_TOT // NW
NBUF = 2
GROUPS = CHUNKS // NBUF
ACCN = N + K
ROWS_PER_TILE = 624
ROWS_TAIL = N - NS * ROWS_PER_TILE
NPAD = 10240
DEG_CHUNK = NPAD // NS


def _make_segsum(with_deg: bool):
    mesh = plsc.VectorSubcoreMesh(core_axis_name="c", subcore_axis_name="s")
    out_type = [jax.ShapeDtypeStruct((NC, N, C), jnp.float32)]
    scratch = []
    for _ in range(NBUF):
        scratch += [pltpu.VMEM((K,), jnp.int32),
                    pltpu.VMEM((K,), jnp.int32)]
    scratch += [pltpu.VMEM((K, C), jnp.float32) for _ in range(NBUF)]
    scratch += [pltpu.VMEM_SHARED((ACCN, C), jnp.float32)]
    scratch += [pltpu.SemaphoreType.DMA for _ in range(3 * NBUF)]
    if with_deg:
        out_type.append(jax.ShapeDtypeStruct((NPAD,), jnp.float32))
        out_type.append(jax.ShapeDtypeStruct((NPAD,), jnp.float32))
        scratch += [
            pltpu.VMEM((K,), jnp.float32),
            pltpu.VMEM_SHARED((NPAD,), jnp.float32),
        ]

    @functools.partial(pl.kernel, out_type=out_type, mesh=mesh,
                       scratch_types=scratch)
    def segsum(h_hbm, src_hbm, dst_hbm, z2_hbm, z1_hbm, *rest):
        if with_deg:
            out_hbm, deg0_hbm, deg1_hbm, *rest2 = rest
        else:
            out_hbm, *rest2 = rest
        idx = [(rest2[2 * b], rest2[2 * b + 1]) for b in range(NBUF)]
        rows = rest2[2 * NBUF:3 * NBUF]
        acc = rest2[3 * NBUF]
        sems = rest2[3 * NBUF + 1:4 * NBUF + 1]
        isems = rest2[4 * NBUF + 1:5 * NBUF + 1]
        ssems = rest2[5 * NBUF + 1:6 * NBUF + 1]
        if with_deg:
            ones_v, dacc = rest2[6 * NBUF + 1:]
        cid = lax.axis_index("c")
        sid = lax.axis_index("s")
        wid = sid * NC + cid

        r0 = sid * ROWS_PER_TILE
        pltpu.sync_copy(z2_hbm.at[pl.ds(r0, ROWS_PER_TILE)],
                        acc.at[pl.ds(r0, ROWS_PER_TILE)])

        @pl.when(sid == 0)
        def _():
            pltpu.sync_copy(z2_hbm.at[pl.ds(NS * ROWS_PER_TILE, ROWS_TAIL)],
                            acc.at[pl.ds(NS * ROWS_PER_TILE, ROWS_TAIL)])
        if with_deg:
            d0 = sid * DEG_CHUNK
            pltpu.sync_copy(z1_hbm.at[pl.ds(d0, DEG_CHUNK)],
                            dacc.at[pl.ds(d0, DEG_CHUNK)])
            for i in range(K // 16):
                ones_v[pl.ds(i * 16, 16)] = jnp.ones((16,), jnp.float32)
        plsc.subcore_barrier()

        base = wid * CHUNKS * K

        def load_idx(b, ci):
            pltpu.sync_copy(src_hbm.at[pl.ds(base + ci * K, K)], idx[b][0])
            pltpu.async_copy(dst_hbm.at[pl.ds(base + ci * K, K)], idx[b][1],
                             isems[b])

        for b in range(NBUF):
            load_idx(b, b)
            pltpu.async_copy(h_hbm.at[idx[b][0]], rows[b], sems[b])

        def group(g, carry):
            for b in range(NBUF):
                ci = g * NBUF + b
                pltpu.make_async_copy(h_hbm.at[pl.ds(0, K)], rows[b],
                                      sems[b]).wait()
                pltpu.make_async_copy(dst_hbm.at[pl.ds(0, K)], idx[b][1],
                                      isems[b]).wait()

                @pl.when(ci + NBUF < CHUNKS)
                def _(b=b, ci=ci):
                    pltpu.async_copy(
                        src_hbm.at[pl.ds(base + (ci + NBUF) * K, K)],
                        idx[b][0], ssems[b])

                pltpu.sync_copy(rows[b], acc.at[idx[b][1]], add=True)
                if with_deg:
                    pltpu.sync_copy(ones_v, dacc.at[idx[b][1]], add=True)

                @pl.when(ci + NBUF < CHUNKS)
                def _(b=b, ci=ci):
                    pltpu.make_async_copy(src_hbm.at[pl.ds(0, K)], idx[b][0],
                                          ssems[b]).wait()
                    pltpu.async_copy(h_hbm.at[idx[b][0]], rows[b], sems[b])
                    pltpu.async_copy(dst_hbm.at[pl.ds(base + (ci + NBUF) * K,
                                                      K)],
                                     idx[b][1], isems[b])
            return carry

        lax.fori_loop(0, GROUPS, group, 0)

        plsc.subcore_barrier()
        pltpu.sync_copy(acc.at[pl.ds(r0, ROWS_PER_TILE)],
                        out_hbm.at[cid, pl.ds(r0, ROWS_PER_TILE)])

        @pl.when(sid == 0)
        def _():
            pltpu.sync_copy(acc.at[pl.ds(NS * ROWS_PER_TILE, ROWS_TAIL)],
                            out_hbm.at[cid, pl.ds(NS * ROWS_PER_TILE, ROWS_TAIL)])
        if with_deg:
            @pl.when(cid == 0)
            def _():
                pltpu.sync_copy(dacc.at[pl.ds(d0, DEG_CHUNK)],
                                deg0_hbm.at[pl.ds(d0, DEG_CHUNK)])

            @pl.when(cid == 1)
            def _():
                pltpu.sync_copy(dacc.at[pl.ds(d0, DEG_CHUNK)],
                                deg1_hbm.at[pl.ds(d0, DEG_CHUNK)])

    return segsum


_SEGSUM_CACHE = {}


def _segsum_kernel(with_deg: bool):
    if with_deg not in _SEGSUM_CACHE:
        _SEGSUM_CACHE[with_deg] = _make_segsum(with_deg)
    return _SEGSUM_CACHE[with_deg]


BLK = 1000


def _encode_body(x_ref, aa_ref, ab_ref, da_ref, db_ref, wd_ref, wb_ref, b_ref,
                 out_ref):
    deg = da_ref[...] + db_ref[...]
    agg = aa_ref[...] + ab_ref[...]
    h = (deg * (jnp.dot(x_ref[...], wd_ref[...],
                        preferred_element_type=jnp.float32) + b_ref[...])
         + jnp.dot(agg, wb_ref[...], preferred_element_type=jnp.float32))
    out_ref[...] = jnp.where(h > 0, h, 0.2 * h)


def _stage2_body(h_ref, aa_ref, ab_ref, da_ref, db_ref, noise_ref,
                 wmd_ref, wmb_ref, bm_ref, wvd_ref, wvb_ref, bv_ref,
                 wdec_ref, bdec_ref, out_ref):
    deg = da_ref[...] + db_ref[...]
    agg = aa_ref[...] + ab_ref[...]
    h = h_ref[...]
    for r in range(R):
        m = deg * (jnp.dot(h, wmd_ref[r], preferred_element_type=jnp.float32)
                   + bm_ref[r]) + jnp.dot(agg, wmb_ref[r],
                                          preferred_element_type=jnp.float32)
        v = deg * (jnp.dot(h, wvd_ref[r], preferred_element_type=jnp.float32)
                   + bv_ref[r]) + jnp.dot(agg, wvb_ref[r],
                                          preferred_element_type=jnp.float32)
        z = m + noise_ref[:, r, :] * jnp.exp(0.5 * v)
        out_ref[:, r, :] = (jnp.dot(z, wdec_ref[...],
                                    preferred_element_type=jnp.float32)
                            + bdec_ref[...])


def _shuffled_weights(W, b):
    top, bot = W[:C], W[C:]
    wd = (top - bot).reshape(C, C, R).transpose(2, 0, 1)
    wb = bot.reshape(C, C, R).transpose(2, 0, 1)
    bs = b.reshape(C, R).T.reshape(R, 1, C)
    return wd, wb, bs


def kernel(x, edge_index, W_enc, b_enc, W_mean, b_mean, W_logvar, b_logvar,
           W_dec, b_dec):
    pad_src = jnp.arange(K, dtype=edge_index.dtype)
    pad_dst = jnp.arange(N, N + K, dtype=edge_index.dtype)
    src_parts, dst_parts, start = [], [], 0
    for w in range(NW):
        n = 79 if w < 4 else 78
        src_parts += [edge_index[0, start * K:(start + n) * K]]
        dst_parts += [edge_index[1, start * K:(start + n) * K]]
        src_parts += [pad_src] * (CHUNKS - n)
        dst_parts += [pad_dst] * (CHUNKS - n)
        start += n
    src = jnp.concatenate(src_parts).astype(jnp.int32)
    dst = jnp.concatenate(dst_parts).astype(jnp.int32)
    z2 = jnp.zeros((N, C), jnp.float32)
    z1 = jnp.zeros((NPAD,), jnp.float32)

    agg1, deg0, deg1 = _segsum_kernel(True)(x, src, dst, z2, z1)
    deg_a = deg0[:N].reshape(N, 1)
    deg_b = deg1[:N].reshape(N, 1)

    wd_enc = W_enc[:C] - W_enc[C:]
    wb_enc = W_enc[C:]
    full = lambda s: pl.BlockSpec(s, lambda i: (0,) * len(s))
    rows = lambda s: pl.BlockSpec(s, lambda i: (i,) + (0,) * (len(s) - 1))
    h1 = pl.pallas_call(
        _encode_body,
        grid=(N // BLK,),
        in_specs=[rows((BLK, C)), rows((BLK, C)), rows((BLK, C)),
                  rows((BLK, 1)), rows((BLK, 1)),
                  full((C, C)), full((C, C)), full((1, C))],
        out_specs=rows((BLK, C)),
        out_shape=jax.ShapeDtypeStruct((N, C), jnp.float32),
    )(x, agg1[0], agg1[1], deg_a, deg_b, wd_enc, wb_enc, b_enc.reshape(1, C))

    agg2 = _segsum_kernel(False)(h1, src, dst, z2, z1)
    if isinstance(agg2, (list, tuple)):
        agg2 = agg2[0]

    wmd, wmb, bm = _shuffled_weights(W_mean, b_mean)
    wvd, wvb, bv = _shuffled_weights(W_logvar, b_logvar)
    noise = jax.random.normal(jax.random.key(42), (N * R, OUT),
                              jnp.float32).reshape(N, R, OUT)

    out3 = pl.pallas_call(
        _stage2_body,
        grid=(N // BLK,),
        in_specs=[rows((BLK, C)), rows((BLK, C)), rows((BLK, C)),
                  rows((BLK, 1)), rows((BLK, 1)), rows((BLK, R, C)),
                  full((R, C, C)), full((R, C, C)), full((R, 1, C)),
                  full((R, C, C)), full((R, C, C)), full((R, 1, C)),
                  full((C, OUT)), full((1, OUT))],
        out_specs=rows((BLK, R, OUT)),
        out_shape=jax.ShapeDtypeStruct((N, R, OUT), jnp.float32),
    )(h1, agg2[0], agg2[1], deg_a, deg_b, noise,
      wmd, wmb, bm, wvd, wvb, bv, W_dec, b_dec.reshape(1, OUT))

    return out3.reshape(N * R, OUT)

# --- scband reference (transcript-rebuilt; emitter-appended) ---
"""Pipeline reference for scband-variational-shuffle-88948772700688 (READ-ONLY COPY).

The authoritative reference and input builder live on the scoring server;
editing this copy changes nothing except your own understanding.
"""

import jax, jax.numpy as jnp
import numpy as np

N = 10000
E = 320000
C = 128
R = 4
OUT = 128


def setup_inputs(seed: int = 0) -> dict:
    key = jax.random.key(seed)
    ks = jax.random.split(key, 12)
    inp = {}
    inp["x"] = jax.random.normal(ks[0], (N, C), dtype=jnp.float32)
    inp["edge_index"] = jax.random.randint(ks[1], (2, E), 0, N, dtype=jnp.int32)
    s2c = 1.0 / np.sqrt(2 * C)
    sc = 1.0 / np.sqrt(C)
    # encoder GraphConv (edge-conv style): Linear(2*C -> C)
    inp["W_enc"] = jax.random.uniform(ks[2], (2 * C, C), dtype=jnp.float32, minval=-s2c, maxval=s2c)
    inp["b_enc"] = jax.random.uniform(ks[3], (C,), dtype=jnp.float32, minval=-s2c, maxval=s2c)
    # nn_mean GraphConv: Linear(2*C -> C*R)
    inp["W_mean"] = jax.random.uniform(ks[4], (2 * C, C * R), dtype=jnp.float32, minval=-s2c, maxval=s2c)
    inp["b_mean"] = jax.random.uniform(ks[5], (C * R,), dtype=jnp.float32, minval=-s2c, maxval=s2c)
    # nn_log_var GraphConv: Linear(2*C -> C*R)
    inp["W_logvar"] = jax.random.uniform(ks[6], (2 * C, C * R), dtype=jnp.float32, minval=-s2c, maxval=s2c)
    inp["b_logvar"] = jax.random.uniform(ks[7], (C * R,), dtype=jnp.float32, minval=-s2c, maxval=s2c)
    # decoder Linear(C -> OUT)
    inp["W_dec"] = jax.random.uniform(ks[8], (C, OUT), dtype=jnp.float32, minval=-sc, maxval=sc)
    inp["b_dec"] = jax.random.uniform(ks[9], (OUT,), dtype=jnp.float32, minval=-sc, maxval=sc)
    return inp


def reference(x, edge_index, W_enc, b_enc, W_mean, b_mean, W_logvar, b_logvar, W_dec, b_dec):
    src = edge_index[0]
    dst = edge_index[1]

    def gconv(h, W, b):
        # EdgeConv-style message: Linear([x_i, x_j - x_i]) then scatter-add to dst
        h_i = jnp.take(h, dst, axis=0)
        h_j = jnp.take(h, src, axis=0)
        msg = jnp.concatenate([h_i, h_j - h_i], axis=-1) @ W + b
        return jax.ops.segment_sum(msg, dst, num_segments=h.shape[0])

    def point_shuffle(t):
        # rearrange 'n (c2 r) -> (n r) c2' with c2 = c // R
        n, c = t.shape
        c2 = c // R
        return t.reshape(n, c2, R).transpose(0, 2, 1).reshape(n * R, c2)

    h = gconv(x, W_enc, b_enc)
    h = jax.nn.leaky_relu(h, negative_slope=0.2)
    z_mean = point_shuffle(gconv(h, W_mean, b_mean))
    z_log_var = point_shuffle(gconv(h, W_logvar, b_logvar))
    noise = jax.random.normal(jax.random.key(42), z_mean.shape, dtype=z_mean.dtype)
    z_std = jnp.exp(z_log_var * 0.5)
    z = z_mean + noise * z_std
    out = z @ W_dec + b_dec
    return out

if __name__ == "__main__":
    import jax
    _d = setup_inputs()
    print(jax.jit(kernel)(*tuple(_d.values())))

</pallas_src>

<mosaic_0001>
#map = affine_map<(d0, d1) -> (0, 0)>
#map1 = affine_map<(d0, d1) -> (0)>
#map2 = affine_map<(d0, d1) -> (0, 0, 0)>
module attributes {stable_mosaic.version = 14 : i64} {
  func.func @segsum(%arg0: i32, %arg1: i32, %arg2: memref<10000x128xf32, #tpu.memory_space<hbm>>, %arg3: memref<327680xi32, #tpu.memory_space<hbm>>, %arg4: memref<327680xi32, #tpu.memory_space<hbm>>, %arg5: memref<10000x128xf32, #tpu.memory_space<hbm>>, %arg6: memref<10240xf32, #tpu.memory_space<hbm>>, %arg7: memref<2x10000x128xf32, #tpu.memory_space<hbm>>, %arg8: memref<10240xf32, #tpu.memory_space<hbm>>, %arg9: memref<10240xf32, #tpu.memory_space<hbm>>, %arg10: memref<128xi32, #tpu.memory_space<vmem>>, %arg11: memref<128xi32, #tpu.memory_space<vmem>>, %arg12: memref<128xi32, #tpu.memory_space<vmem>>, %arg13: memref<128xi32, #tpu.memory_space<vmem>>, %arg14: memref<128x128xf32, #tpu.memory_space<vmem>>, %arg15: memref<128x128xf32, #tpu.memory_space<vmem>>, %arg16: memref<10128x128xf32, #tpu.memory_space<vmem_shared>>, %arg17: memref<!tpu.dma_semaphore, #tpu.memory_space<semaphore_mem>>, %arg18: memref<!tpu.dma_semaphore, #tpu.memory_space<semaphore_mem>>, %arg19: memref<!tpu.dma_semaphore, #tpu.memory_space<semaphore_mem>>, %arg20: memref<!tpu.dma_semaphore, #tpu.memory_space<semaphore_mem>>, %arg21: memref<!tpu.dma_semaphore, #tpu.memory_space<semaphore_mem>>, %arg22: memref<!tpu.dma_semaphore, #tpu.memory_space<semaphore_mem>>, %arg23: memref<128xf32, #tpu.memory_space<vmem>>, %arg24: memref<10240xf32, #tpu.memory_space<vmem_shared>>) attributes {dimension_semantics = [#tpu.dimension_semantics<core_parallel>, #tpu.dimension_semantics<subcore_parallel>], iteration_bounds = array<i64: 2, 16>, scalar_prefetch = 0 : i64, scratch_operands = 15 : i64, tpu.core_type = #tpu.core_type<sc_vector_subcore>, window_params = [{transform_indices = #map}, {transform_indices = #map1}, {transform_indices = #map1}, {transform_indices = #map}, {transform_indices = #map1}, {transform_indices = #map2}, {transform_indices = #map1}, {transform_indices = #map1}]} {
    %mul3A = arith.constant 2 : i32
    %mul3A_0 = arith.muli %arg1, %mul3A : i32
    %add3A = arith.addi %mul3A_0, %arg0 : i32
    %mul3A_1 = arith.constant 624 : i32
    %mul3A_2 = arith.muli %arg1, %mul3A_1 : i32
    "tpu.region"() ({
      %run_scoped3A = tpu.sem_alloc : memref<!tpu.dma_semaphore, #tpu.memory_space<semaphore_mem>>
      %dma_start3A_95 = arith.constant 0 : i32
      %dma_start3A_96 = tpu.memref_slice %arg16[%mul3A_2, %dma_start3A_95] : memref<10128x128xf32, #tpu.memory_space<vmem_shared>> -> memref<624x128xf32, #tpu.memory_space<vmem_shared>>
      %dma_start3A_97 = arith.constant 0 : i32
      %dma_start3A_98 = tpu.memref_slice %arg5[%mul3A_2, %dma_start3A_97] : memref<10000x128xf32, #tpu.memory_space<hbm>> -> memref<624x128xf32, #tpu.memory_space<hbm>>
      tpu.enqueue_dma source(%dma_start3A_98 : memref<624x128xf32, #tpu.memory_space<hbm>>) target(%dma_start3A_96 : memref<624x128xf32, #tpu.memory_space<vmem_shared>>) target_semaphore(%run_scoped3A : memref<!tpu.dma_semaphore, #tpu.memory_space<semaphore_mem>>)
      %dma_wait3A = arith.constant 0 : i32
      %dma_wait3A_99 = tpu.memref_slice %arg16[%mul3A_2, %dma_wait3A] : memref<10128x128xf32, #tpu.memory_space<vmem_shared>> -> memref<624x128xf32, #tpu.memory_space<vmem_shared>>
      %dma_wait3A_100 = arith.constant 0 : i32
      %dma_wait3A_101 = tpu.memref_slice %arg5[%mul3A_2, %dma_wait3A_100] : memref<10000x128xf32, #tpu.memory_space<hbm>> -> memref<624x128xf32, #tpu.memory_space<hbm>>
      tpu.wait_dma2 semaphore(%run_scoped3A : memref<!tpu.dma_semaphore, #tpu.memory_space<semaphore_mem>>) src(%dma_wait3A_101 : memref<624x128xf32, #tpu.memory_space<hbm>>) dst(%dma_wait3A_99 : memref<624x128xf32, #tpu.memory_space<vmem_shared>>)
      tpu.yield
    }) : () -> ()
    %eq3A = arith.constant 0 : i32
    %eq3A_3 = arith.cmpi eq, %arg1, %eq3A : i32
    %convert_element_type3A = arith.extui %eq3A_3 : i1 to i32
    %cond3A = arith.constant 0 : i32
    %cond3A_4 = arith.cmpi ne, %convert_element_type3A, %cond3A : i32
    scf.if %cond3A_4 {
      "tpu.region"() ({
        %run_scoped3A = tpu.sem_alloc : memref<!tpu.dma_semaphore, #tpu.memory_space<semaphore_mem>>
        %dma_start3A_95 = arith.constant 9984 : i32
        %dma_start3A_96 = arith.constant 0 : i32
        %dma_start3A_97 = tpu.memref_slice %arg16[%dma_start3A_95, %dma_start3A_96] : memref<10128x128xf32, #tpu.memory_space<vmem_shared>> -> memref<16x128xf32, #tpu.memory_space<vmem_shared>>
        %dma_start3A_98 = arith.constant 9984 : i32
        %dma_start3A_99 = arith.constant 0 : i32
        %dma_start3A_100 = tpu.memref_slice %arg5[%dma_start3A_98, %dma_start3A_99] : memref<10000x128xf32, #tpu.memory_space<hbm>> -> memref<16x128xf32, #tpu.memory_space<hbm>>
        tpu.enqueue_dma source(%dma_start3A_100 : memref<16x128xf32, #tpu.memory_space<hbm>>) target(%dma_start3A_97 : memref<16x128xf32, #tpu.memory_space<vmem_shared>>) target_semaphore(%run_scoped3A : memref<!tpu.dma_semaphore, #tpu.memory_space<semaphore_mem>>)
        %dma_wait3A = arith.constant 9984 : i32
        %dma_wait3A_101 = arith.constant 0 : i32
        %dma_wait3A_102 = tpu.memref_slice %arg16[%dma_wait3A, %dma_wait3A_101] : memref<10128x128xf32, #tpu.memory_space<vmem_shared>> -> memref<16x128xf32, #tpu.memory_space<vmem_shared>>
        %dma_wait3A_103 = arith.constant 9984 : i32
        %dma_wait3A_104 = arith.constant 0 : i32
        %dma_wait3A_105 = tpu.memref_slice %arg5[%dma_wait3A_103, %dma_wait3A_104] : memref<10000x128xf32, #tpu.memory_space<hbm>> -> memref<16x128xf32, #tpu.memory_space<hbm>>
        tpu.wait_dma2 semaphore(%run_scoped3A : memref<!tpu.dma_semaphore, #tpu.memory_space<semaphore_mem>>) src(%dma_wait3A_105 : memref<16x128xf32, #tpu.memory_space<hbm>>) dst(%dma_wait3A_102 : memref<16x128xf32, #tpu.memory_space<vmem_shared>>)
        tpu.yield
      }) : () -> ()
    } else {
    }
    %mul3A_5 = arith.constant 640 : i32
    %mul3A_6 = arith.muli %arg1, %mul3A_5 : i32
    "tpu.region"() ({
      %run_scoped3A = tpu.sem_alloc : memref<!tpu.dma_semaphore, #tpu.memory_space<semaphore_mem>>
      %dma_start3A_95 = tpu.memref_slice %arg24[%mul3A_6] : memref<10240xf32, #tpu.memory_space<vmem_shared>> -> memref<640xf32, #tpu.memory_space<vmem_shared>>
      %dma_start3A_96 = tpu.memref_slice %arg6[%mul3A_6] : memref<10240xf32, #tpu.memory_space<hbm>> -> memref<640xf32, #tpu.memory_space<hbm>>
      tpu.enqueue_dma source(%dma_start3A_96 : memref<640xf32, #tpu.memory_space<hbm>>) target(%dma_start3A_95 : memref<640xf32, #tpu.memory_space<vmem_shared>>) target_semaphore(%run_scoped3A : memref<!tpu.dma_semaphore, #tpu.memory_space<semaphore_mem>>)
      %dma_wait3A = tpu.memref_slice %arg24[%mul3A_6] : memref<10240xf32, #tpu.memory_space<vmem_shared>> -> memref<640xf32, #tpu.memory_space<vmem_shared>>
      %dma_wait3A_97 = tpu.memref_slice %arg6[%mul3A_6] : memref<10240xf32, #tpu.memory_space<hbm>> -> memref<640xf32, #tpu.memory_space<hbm>>
      tpu.wait_dma2 semaphore(%run_scoped3A : memref<!tpu.dma_semaphore, #tpu.memory_space<semaphore_mem>>) src(%dma_wait3A_97 : memref<640xf32, #tpu.memory_space<hbm>>) dst(%dma_wait3A : memref<640xf32, #tpu.memory_space<vmem_shared>>)
      tpu.yield
    }) : () -> ()
    %broadcast_in_dim3A = arith.constant 1.000000e+00 : f32
    %broadcast_in_dim3A_7 = vector.broadcast %broadcast_in_dim3A : f32 to vector<16xf32>
    %swap3A = arith.constant 0 : index
    %swap3A_8 = tpu.vector_load %arg23[%swap3A] {strides = array<i32>} : memref<128xf32, #tpu.memory_space<vmem>>, vector<16xf32>,
    %swap3A_9 = vector.shape_cast %swap3A_8 : vector<16xf32> to vector<16xf32>
    %swap3A_10 = vector.shape_cast %broadcast_in_dim3A_7 : vector<16xf32> to vector<16xf32>
    tpu.vector_store %arg23[%swap3A], %swap3A_10 {strides = array<i32>} : memref<128xf32, #tpu.memory_space<vmem>>, vector<16xf32>,
    %broadcast_in_dim3A_11 = arith.constant 1.000000e+00 : f32
    %broadcast_in_dim3A_12 = vector.broadcast %broadcast_in_dim3A_11 : f32 to vector<16xf32>
    %swap3A_13 = arith.constant 16 : index
    %swap3A_14 = tpu.vector_load %arg23[%swap3A_13] {strides = array<i32>} : memref<128xf32, #tpu.memory_space<vmem>>, vector<16xf32>,
    %swap3A_15 = vector.shape_cast %swap3A_14 : vector<16xf32> to vector<16xf32>
    %swap3A_16 = vector.shape_cast %broadcast_in_dim3A_12 : vector<16xf32> to vector<16xf32>
    tpu.vector_store %arg23[%swap3A_13], %swap3A_16 {strides = array<i32>} : memref<128xf32, #tpu.memory_space<vmem>>, vector<16xf32>,
    %broadcast_in_dim3A_17 = arith.constant 1.000000e+00 : f32
    %broadcast_in_dim3A_18 = vector.broadcast %broadcast_in_dim3A_17 : f32 to vector<16xf32>
    %swap3A_19 = arith.constant 32 : index
    %swap3A_20 = tpu.vector_load %arg23[%swap3A_19] {strides = array<i32>} : memref<128xf32, #tpu.memory_space<vmem>>, vector<16xf32>,
    %swap3A_21 = vector.shape_cast %swap3A_20 : vector<16xf32> to vector<16xf32>
    %swap3A_22 = vector.shape_cast %broadcast_in_dim3A_18 : vector<16xf32> to vector<16xf32>
    tpu.vector_store %arg23[%swap3A_19], %swap3A_22 {strides = array<i32>} : memref<128xf32, #tpu.memory_space<vmem>>, vector<16xf32>,
    %broadcast_in_dim3A_23 = arith.constant 1.000000e+00 : f32
    %broadcast_in_dim3A_24 = vector.broadcast %broadcast_in_dim3A_23 : f32 to vector<16xf32>
    %swap3A_25 = arith.constant 48 : index
    %swap3A_26 = tpu.vector_load %arg23[%swap3A_25] {strides = array<i32>} : memref<128xf32, #tpu.memory_space<vmem>>, vector<16xf32>,
    %swap3A_27 = vector.shape_cast %swap3A_26 : vector<16xf32> to vector<16xf32>
    %swap3A_28 = vector.shape_cast %broadcast_in_dim3A_24 : vector<16xf32> to vector<16xf32>
    tpu.vector_store %arg23[%swap3A_25], %swap3A_28 {strides = array<i32>} : memref<128xf32, #tpu.memory_space<vmem>>, vector<16xf32>,
    %broadcast_in_dim3A_29 = arith.constant 1.000000e+00 : f32
    %broadcast_in_dim3A_30 = vector.broadcast %broadcast_in_dim3A_29 : f32 to vector<16xf32>
    %swap3A_31 = arith.constant 64 : index
    %swap3A_32 = tpu.vector_load %arg23[%swap3A_31] {strides = array<i32>} : memref<128xf32, #tpu.memory_space<vmem>>, vector<16xf32>,
    %swap3A_33 = vector.shape_cast %swap3A_32 : vector<16xf32> to vector<16xf32>
    %swap3A_34 = vector.shape_cast %broadcast_in_dim3A_30 : vector<16xf32> to vector<16xf32>
    tpu.vector_store %arg23[%swap3A_31], %swap3A_34 {strides = array<i32>} : memref<128xf32, #tpu.memory_space<vmem>>, vector<16xf32>,
    %broadcast_in_dim3A_35 = arith.constant 1.000000e+00 : f32
    %broadcast_in_dim3A_36 = vector.broadcast %broadcast_in_dim3A_35 : f32 to vector<16xf32>
    %swap3A_37 = arith.constant 80 : index
    %swap3A_38 = tpu.vector_load %arg23[%swap3A_37] {strides = array<i32>} : memref<128xf32, #tpu.memory_space<vmem>>, vector<16xf32>,
    %swap3A_39 = vector.shape_cast %swap3A_38 : vector<16xf32> to vector<16xf32>
    %swap3A_40 = vector.shape_cast %broadcast_in_dim3A_36 : vector<16xf32> to vector<16xf32>
    tpu.vector_store %arg23[%swap3A_37], %swap3A_40 {strides = array<i32>} : memref<128xf32, #tpu.memory_space<vmem>>, vector<16xf32>,
    %broadcast_in_dim3A_41 = arith.constant 1.000000e+00 : f32
    %broadcast_in_dim3A_42 = vector.broadcast %broadcast_in_dim3A_41 : f32 to vector<16xf32>
    %swap3A_43 = arith.constant 96 : index
    %swap3A_44 = tpu.vector_load %arg23[%swap3A_43] {strides = array<i32>} : memref<128xf32, #tpu.memory_space<vmem>>, vector<16xf32>,
    %swap3A_45 = vector.shape_cast %swap3A_44 : vector<16xf32> to vector<16xf32>
    %swap3A_46 = vector.shape_cast %broadcast_in_dim3A_42 : vector<16xf32> to vector<16xf32>
    tpu.vector_store %arg23[%swap3A_43], %swap3A_46 {strides = array<i32>} : memref<128xf32, #tpu.memory_space<vmem>>, vector<16xf32>,
    %broadcast_in_dim3A_47 = arith.constant 1.000000e+00 : f32
    %broadcast_in_dim3A_48 = vector.broadcast %broadcast_in_dim3A_47 : f32 to vector<16xf32>
    %swap3A_49 = arith.constant 112 : index
    %swap3A_50 = tpu.vector_load %arg23[%swap3A_49] {strides = array<i32>} : memref<128xf32, #tpu.memory_space<vmem>>, vector<16xf32>,
    %swap3A_51 = vector.shape_cast %swap3A_50 : vector<16xf32> to vector<16xf32>
    %swap3A_52 = vector.shape_cast %broadcast_in_dim3A_48 : vector<16xf32> to vector<16xf32>
    tpu.vector_store %arg23[%swap3A_49], %swap3A_52 {strides = array<i32>} : memref<128xf32, #tpu.memory_space<vmem>>, vector<16xf32>,
    %barrier3A = arith.constant 0 : index
    tpu.barrier barrier_id(%barrier3A)
    %mul3A_53 = arith.constant 80 : i32
    %mul3A_54 = arith.muli %add3A, %mul3A_53 : i32
    %mul3A_55 = arith.constant 128 : i32
    %mul3A_56 = arith.muli %mul3A_54, %mul3A_55 : i32
    %add3A_57 = arith.constant 0 : i32
    %add3A_58 = arith.addi %mul3A_56, %add3A_57 : i32
    "tpu.region"() ({
      %run_scoped3A = tpu.sem_alloc : memref<!tpu.dma_semaphore, #tpu.memory_space<semaphore_mem>>
      %dma_start3A_95 = tpu.memref_slice %arg3[%add3A_58] : memref<327680xi32, #tpu.memory_space<hbm>> -> memref<128xi32, #tpu.memory_space<hbm>>
      %dma_start3A_96 = tpu.memref_slice %arg3[%add3A_58] : memref<327680xi32, #tpu.memory_space<hbm>> -> memref<128xi32, #tpu.memory_space<hbm>>
      tpu.enqueue_dma source(%dma_start3A_96 : memref<128xi32, #tpu.memory_space<hbm>>) target(%arg10 : memref<128xi32, #tpu.memory_space<vmem>>) target_semaphore(%run_scoped3A : memref<!tpu.dma_semaphore, #tpu.memory_space<semaphore_mem>>)
      %dma_wait3A = tpu.memref_slice %arg3[%add3A_58] : memref<327680xi32, #tpu.memory_space<hbm>> -> memref<128xi32, #tpu.memory_space<hbm>>
      %dma_wait3A_97 = tpu.memref_slice %arg3[%add3A_58] : memref<327680xi32, #tpu.memory_space<hbm>> -> memref<128xi32, #tpu.memory_space<hbm>>
      tpu.wait_dma2 semaphore(%run_scoped3A : memref<!tpu.dma_semaphore, #tpu.memory_space<semaphore_mem>>) src(%dma_wait3A_97 : memref<128xi32, #tpu.memory_space<hbm>>) dst(%arg10 : memref<128xi32, #tpu.memory_space<vmem>>)
      tpu.yield
    }) : () -> ()
    %add3A_59 = arith.constant 0 : i32
    %add3A_60 = arith.addi %mul3A_56, %add3A_59 : i32
    %dma_start3A = tpu.memref_slice %arg4[%add3A_60] : memref<327680xi32, #tpu.memory_space<hbm>> -> memref<128xi32, #tpu.memory_space<hbm>>
    %dma_start3A_61 = tpu.memref_slice %arg4[%add3A_60] : memref<327680xi32, #tpu.memory_space<hbm>> -> memref<128xi32, #tpu.memory_space<hbm>>
    tpu.enqueue_dma source(%dma_start3A_61 : memref<128xi32, #tpu.memory_space<hbm>>) target(%arg11 : memref<128xi32, #tpu.memory_space<vmem>>) target_semaphore(%arg19 : memref<!tpu.dma_semaphore, #tpu.memory_space<semaphore_mem>>)
    %dma_start3A_62 = arith.constant 0 : i32
    %dma_start3A_63 = arith.constant 0 : i32
    %dma_start3A_64 = tpu.memref_slice %arg2[%dma_start3A_62, %dma_start3A_63] : memref<10000x128xf32, #tpu.memory_space<hbm>> -> memref<10000x128xf32, #tpu.memory_space<hbm>>
    tpu.enqueue_indirect_dma source(%dma_start3A_64 : memref<10000x128xf32, #tpu.memory_space<hbm>>) target(%arg14 : memref<128x128xf32, #tpu.memory_space<vmem>>) offsets(%arg10 : memref<128xi32, #tpu.memory_space<vmem>>) semaphore(%arg17 : memref<!tpu.dma_semaphore, #tpu.memory_space<semaphore_mem>>)
    %add3A_65 = arith.constant 128 : i32
    %add3A_66 = arith.addi %mul3A_56, %add3A_65 : i32
    "tpu.region"() ({
      %run_scoped3A = tpu.sem_alloc : memref<!tpu.dma_semaphore, #tpu.memory_space<semaphore_mem>>
      %dma_start3A_95 = tpu.memref_slice %arg3[%add3A_66] : memref<327680xi32, #tpu.memory_space<hbm>> -> memref<128xi32, #tpu.memory_space<hbm>>
      %dma_start3A_96 = tpu.memref_slice %arg3[%add3A_66] : memref<327680xi32, #tpu.memory_space<hbm>> -> memref<128xi32, #tpu.memory_space<hbm>>
      tpu.enqueue_dma source(%dma_start3A_96 : memref<128xi32, #tpu.memory_space<hbm>>) target(%arg12 : memref<128xi32, #tpu.memory_space<vmem>>) target_semaphore(%run_scoped3A : memref<!tpu.dma_semaphore, #tpu.memory_space<semaphore_mem>>)
      %dma_wait3A = tpu.memref_slice %arg3[%add3A_66] : memref<327680xi32, #tpu.memory_space<hbm>> -> memref<128xi32, #tpu.memory_space<hbm>>
      %dma_wait3A_97 = tpu.memref_slice %arg3[%add3A_66] : memref<327680xi32, #tpu.memory_space<hbm>> -> memref<128xi32, #tpu.memory_space<hbm>>
      tpu.wait_dma2 semaphore(%run_scoped3A : memref<!tpu.dma_semaphore, #tpu.memory_space<semaphore_mem>>) src(%dma_wait3A_97 : memref<128xi32, #tpu.memory_space<hbm>>) dst(%arg12 : memref<128xi32, #tpu.memory_space<vmem>>)
      tpu.yield
    }) : () -> ()
    %add3A_67 = arith.constant 128 : i32
    %add3A_68 = arith.addi %mul3A_56, %add3A_67 : i32
    %dma_start3A_69 = tpu.memref_slice %arg4[%add3A_68] : memref<327680xi32, #tpu.memory_space<hbm>> -> memref<128xi32, #tpu.memory_space<hbm>>
    %dma_start3A_70 = tpu.memref_slice %arg4[%add3A_68] : memref<327680xi32, #tpu.memory_space<hbm>> -> memref<128xi32, #tpu.memory_space<hbm>>
    tpu.enqueue_dma source(%dma_start3A_70 : memref<128xi32, #tpu.memory_space<hbm>>) target(%arg13 : memref<128xi32, #tpu.memory_space<vmem>>) target_semaphore(%arg20 : memref<!tpu.dma_semaphore, #tpu.memory_space<semaphore_mem>>)
    %dma_start3A_71 = arith.constant 0 : i32
    %dma_start3A_72 = arith.constant 0 : i32
    %dma_start3A_73 = tpu.memref_slice %arg2[%dma_start3A_71, %dma_start3A_72] : memref<10000x128xf32, #tpu.memory_space<hbm>> -> memref<10000x128xf32, #tpu.memory_space<hbm>>
    tpu.enqueue_indirect_dma source(%dma_start3A_73 : memref<10000x128xf32, #tpu.memory_space<hbm>>) target(%arg15 : memref<128x128xf32, #tpu.memory_space<vmem>>) offsets(%arg12 : memref<128xi32, #tpu.memory_space<vmem>>) semaphore(%arg18 : memref<!tpu.dma_semaphore, #tpu.memory_space<semaphore_mem>>)
    %scan3A = arith.constant 0 : i32
    %scan3A_74 = arith.constant 0 : i32
    %scan3A_75 = arith.constant 40 : i32
    %scan3A_76 = arith.addi %scan3A_74, %scan3A_75 : i32
    %scan3A_77 = arith.constant 1 : i32
    scf.for %scan3A_95 = %scan3A_74 to %scan3A_76 step %scan3A_77  : i32 {
      %mul3A_96 = arith.constant 2 : i32
      %mul3A_97 = arith.muli %scan3A_95, %mul3A_96 : i32
      %add3A_98 = arith.constant 0 : i32
      %add3A_99 = arith.addi %mul3A_97, %add3A_98 : i32
      %dma_wait3A = arith.constant 0 : i32
      %dma_wait3A_100 = arith.constant 0 : i32
      %dma_wait3A_101 = tpu.memref_slice %arg2[%dma_wait3A, %dma_wait3A_100] : memref<10000x128xf32, #tpu.memory_space<hbm>> -> memref<128x128xf32, #tpu.memory_space<hbm>>
      %dma_wait3A_102 = arith.constant 0 : i32
      %dma_wait3A_103 = arith.constant 0 : i32
      %dma_wait3A_104 = tpu.memref_slice %arg2[%dma_wait3A_102, %dma_wait3A_103] : memref<10000x128xf32, #tpu.memory_space<hbm>> -> memref<128x128xf32, #tpu.memory_space<hbm>>
      tpu.wait_dma2 semaphore(%arg17 : memref<!tpu.dma_semaphore, #tpu.memory_space<semaphore_mem>>) src(%dma_wait3A_104 : memref<128x128xf32, #tpu.memory_space<hbm>>) dst(%arg14 : memref<128x128xf32, #tpu.memory_space<vmem>>)
      %dma_wait3A_105 = arith.constant 0 : i32
      %dma_wait3A_106 = tpu.memref_slice %arg4[%dma_wait3A_105] : memref<327680xi32, #tpu.memory_space<hbm>> -> memref<128xi32, #tpu.memory_space<hbm>>
      %dma_wait3A_107 = arith.constant 0 : i32
      %dma_wait3A_108 = tpu.memref_slice %arg4[%dma_wait3A_107] : memref<327680xi32, #tpu.memory_space<hbm>> -> memref<128xi32, #tpu.memory_space<hbm>>
      tpu.wait_dma2 semaphore(%arg19 : memref<!tpu.dma_semaphore, #tpu.memory_space<semaphore_mem>>) src(%dma_wait3A_108 : memref<128xi32, #tpu.memory_space<hbm>>) dst(%arg11 : memref<128xi32, #tpu.memory_space<vmem>>)
      %add3A_109 = arith.constant 2 : i32
      %add3A_110 = arith.addi %add3A_99, %add3A_109 : i32
      %lt3A = arith.constant 80 : i32
      %lt3A_111 = arith.cmpi slt, %add3A_110, %lt3A : i32
      %convert_element_type3A_112 = arith.extui %lt3A_111 : i1 to i32
      %cond3A_113 = arith.constant 0 : i32
      %cond3A_114 = arith.cmpi ne, %convert_element_type3A_112, %cond3A_113 : i32
      scf.if %cond3A_114 {
        %add3A_150 = arith.constant 2 : i32
        %add3A_151 = arith.addi %add3A_99, %add3A_150 : i32
        %mul3A_152 = arith.constant 128 : i32
        %mul3A_153 = arith.muli %add3A_151, %mul3A_152 : i32
        %add3A_154 = arith.addi %mul3A_56, %mul3A_153 : i32
        %dma_start3A_155 = tpu.memref_slice %arg3[%add3A_154] : memref<327680xi32, #tpu.memory_space<hbm>> -> memref<128xi32, #tpu.memory_space<hbm>>
        %dma_start3A_156 = tpu.memref_slice %arg3[%add3A_154] : memref<327680xi32, #tpu.memory_space<hbm>> -> memref<128xi32, #tpu.memory_space<hbm>>
        tpu.enqueue_dma source(%dma_start3A_156 : memref<128xi32, #tpu.memory_space<hbm>>) target(%arg10 : memref<128xi32, #tpu.memory_space<vmem>>) target_semaphore(%arg21 : memref<!tpu.dma_semaphore, #tpu.memory_space<semaphore_mem>>)
      } else {
      }
      "tpu.region"() ({
        %run_scoped3A = tpu.sem_alloc : memref<!tpu.dma_semaphore, #tpu.memory_space<semaphore_mem>>
        %dma_start3A_150 = arith.constant 0 : i32
        %dma_start3A_151 = arith.constant 0 : i32
        %dma_start3A_152 = tpu.memref_slice %arg16[%dma_start3A_150, %dma_start3A_151] : memref<10128x128xf32, #tpu.memory_space<vmem_shared>> -> memref<10128x128xf32, #tpu.memory_space<vmem_shared>>
        tpu.enqueue_indirect_dma source(%arg14 : memref<128x128xf32, #tpu.memory_space<vmem>>) target(%dma_start3A_152 : memref<10128x128xf32, #tpu.memory_space<vmem_shared>>) offsets(%arg11 : memref<128xi32, #tpu.memory_space<vmem>>) semaphore(%run_scoped3A : memref<!tpu.dma_semaphore, #tpu.memory_space<semaphore_mem>>) {add = true}
        %dma_wait3A_153 = arith.constant 0 : i32
        %dma_wait3A_154 = arith.constant 0 : i32
        %dma_wait3A_155 = tpu.memref_slice %arg16[%dma_wait3A_153, %dma_wait3A_154] : memref<10128x128xf32, #tpu.memory_space<vmem_shared>> -> memref<10128x128xf32, #tpu.memory_space<vmem_shared>>
        tpu.wait_indirect_dma semaphore(%run_scoped3A : memref<!tpu.dma_semaphore, #tpu.memory_space<semaphore_mem>>) src(%arg14 : memref<128x128xf32, #tpu.memory_space<vmem>>) dst(%dma_wait3A_155 : memref<10128x128xf32, #tpu.memory_space<vmem_shared>>)
        tpu.yield
      }) : () -> ()
      "tpu.region"() ({
        %run_scoped3A = tpu.sem_alloc : memref<!tpu.dma_semaphore, #tpu.memory_space<semaphore_mem>>
        %dma_start3A_150 = arith.constant 0 : i32
        %dma_start3A_151 = tpu.memref_slice %arg24[%dma_start3A_150] : memref<10240xf32, #tpu.memory_space<vmem_shared>> -> memref<10240xf32, #tpu.memory_space<vmem_shared>>
        tpu.enqueue_indirect_dma source(%arg23 : memref<128xf32, #tpu.memory_space<vmem>>) target(%dma_start3A_151 : memref<10240xf32, #tpu.memory_space<vmem_shared>>) offsets(%arg11 : memref<128xi32, #tpu.memory_space<vmem>>) semaphore(%run_scoped3A : memref<!tpu.dma_semaphore, #tpu.memory_space<semaphore_mem>>) {add = true}
        %dma_wait3A_152 = arith.constant 0 : i32
        %dma_wait3A_153 = tpu.memref_slice %arg24[%dma_wait3A_152] : memref<10240xf32, #tpu.memory_space<vmem_shared>> -> memref<10240xf32, #tpu.memory_space<vmem_shared>>
        tpu.wait_indirect_dma semaphore(%run_scoped3A : memref<!tpu.dma_semaphore, #tpu.memory_space<semaphore_mem>>) src(%arg23 : memref<128xf32, #tpu.memory_space<vmem>>) dst(%dma_wait3A_153 : memref<10240xf32, #tpu.memory_space<vmem_shared>>)
        tpu.yield
      }) : () -> ()
      %add3A_115 = arith.constant 2 : i32
      %add3A_116 = arith.addi %add3A_99, %add3A_115 : i32
      %lt3A_117 = arith.constant 80 : i32
      %lt3A_118 = arith.cmpi slt, %add3A_116, %lt3A_117 : i32
      %convert_element_type3A_119 = arith.extui %lt3A_118 : i1 to i32
      %cond3A_120 = arith.constant 0 : i32
      %cond3A_121 = arith.cmpi ne, %convert_element_type3A_119, %cond3A_120 : i32
      scf.if %cond3A_121 {
        %dma_wait3A_150 = arith.constant 0 : i32
        %dma_wait3A_151 = tpu.memref_slice %arg3[%dma_wait3A_150] : memref<327680xi32, #tpu.memory_space<hbm>> -> memref<128xi32, #tpu.memory_space<hbm>>
        %dma_wait3A_152 = arith.constant 0 : i32
        %dma_wait3A_153 = tpu.memref_slice %arg3[%dma_wait3A_152] : memref<327680xi32, #tpu.memory_space<hbm>> -> memref<128xi32, #tpu.memory_space<hbm>>
        tpu.wait_dma2 semaphore(%arg21 : memref<!tpu.dma_semaphore, #tpu.memory_space<semaphore_mem>>) src(%dma_wait3A_153 : memref<128xi32, #tpu.memory_space<hbm>>) dst(%arg10 : memref<128xi32, #tpu.memory_space<vmem>>)
        %dma_start3A_154 = arith.constant 0 : i32
        %dma_start3A_155 = arith.constant 0 : i32
        %dma_start3A_156 = tpu.memref_slice %arg2[%dma_start3A_154, %dma_start3A_155] : memref<10000x128xf32, #tpu.memory_space<hbm>> -> memref<10000x128xf32, #tpu.memory_space<hbm>>
        tpu.enqueue_indirect_dma source(%dma_start3A_156 : memref<10000x128xf32, #tpu.memory_space<hbm>>) target(%arg14 : memref<128x128xf32, #tpu.memory_space<vmem>>) offsets(%arg10 : memref<128xi32, #tpu.memory_space<vmem>>) semaphore(%arg17 : memref<!tpu.dma_semaphore, #tpu.memory_space<semaphore_mem>>)
        %add3A_157 = arith.constant 2 : i32
        %add3A_158 = arith.addi %add3A_99, %add3A_157 : i32
        %mul3A_159 = arith.constant 128 : i32
        %mul3A_160 = arith.muli %add3A_158, %mul3A_159 : i32
        %add3A_161 = arith.addi %mul3A_56, %mul3A_160 : i32
        %dma_start3A_162 = tpu.memref_slice %arg4[%add3A_161] : memref<327680xi32, #tpu.memory_space<hbm>> -> memref<128xi32, #tpu.memory_space<hbm>>
        %dma_start3A_163 = tpu.memref_slice %arg4[%add3A_161] : memref<327680xi32, #tpu.memory_space<hbm>> -> memref<128xi32, #tpu.memory_space<hbm>>
        tpu.enqueue_dma source(%dma_start3A_163 : memref<128xi32, #tpu.memory_space<hbm>>) target(%arg11 : memref<128xi32, #tpu.memory_space<vmem>>) target_semaphore(%arg19 : memref<!tpu.dma_semaphore, #tpu.memory_space<semaphore_mem>>)
      } else {
      }
      %mul3A_122 = arith.constant 2 : i32
      %mul3A_123 = arith.muli %scan3A_95, %mul3A_122 : i32
      %add3A_124 = arith.constant 1 : i32
      %add3A_125 = arith.addi %mul3A_123, %add3A_124 : i32
      %dma_wait3A_126 = arith.constant 0 : i32
      %dma_wait3A_127 = arith.constant 0 : i32
      %dma_wait3A_128 = tpu.memref_slice %arg2[%dma_wait3A_126, %dma_wait3A_127] : memref<10000x128xf32, #tpu.memory_space<hbm>> -> memref<128x128xf32, #tpu.memory_space<hbm>>
      %dma_wait3A_129 = arith.constant 0 : i32
      %dma_wait3A_130 = arith.constant 0 : i32
      %dma_wait3A_131 = tpu.memref_slice %arg2[%dma_wait3A_129, %dma_wait3A_130] : memref<10000x128xf32, #tpu.memory_space<hbm>> -> memref<128x128xf32, #tpu.memory_space<hbm>>
      tpu.wait_dma2 semaphore(%arg18 : memref<!tpu.dma_semaphore, #tpu.memory_space<semaphore_mem>>) src(%dma_wait3A_131 : memref<128x128xf32, #tpu.memory_space<hbm>>) dst(%arg15 : memref<128x128xf32, #tpu.memory_space<vmem>>)
      %dma_wait3A_132 = arith.constant 0 : i32
      %dma_wait3A_133 = tpu.memref_slice %arg4[%dma_wait3A_132] : memref<327680xi32, #tpu.memory_space<hbm>> -> memref<128xi32, #tpu.memory_space<hbm>>
      %dma_wait3A_134 = arith.constant 0 : i32
      %dma_wait3A_135 = tpu.memref_slice %arg4[%dma_wait3A_134] : memref<327680xi32, #tpu.memory_space<hbm>> -> memref<128xi32, #tpu.memory_space<hbm>>
      tpu.wait_dma2 semaphore(%arg20 : memref<!tpu.dma_semaphore, #tpu.memory_space<semaphore_mem>>) src(%dma_wait3A_135 : memref<128xi32, #tpu.memory_space<hbm>>) dst(%arg13 : memref<128xi32, #tpu.memory_space<vmem>>)
      %add3A_136 = arith.constant 2 : i32
      %add3A_137 = arith.addi %add3A_125, %add3A_136 : i32
      %lt3A_138 = arith.constant 80 : i32
      %lt3A_139 = arith.cmpi slt, %add3A_137, %lt3A_138 : i32
      %convert_element_type3A_140 = arith.extui %lt3A_139 : i1 to i32
      %cond3A_141 = arith.constant 0 : i32
      %cond3A_142 = arith.cmpi ne, %convert_element_type3A_140, %cond3A_141 : i32
      scf.if %cond3A_142 {
        %add3A_150 = arith.constant 2 : i32
        %add3A_151 = arith.addi %add3A_125, %add3A_150 : i32
        %mul3A_152 = arith.constant 128 : i32
        %mul3A_153 = arith.muli %add3A_151, %mul3A_152 : i32
        %add3A_154 = arith.addi %mul3A_56, %mul3A_153 : i32
        %dma_start3A_155 = tpu.memref_slice %arg3[%add3A_154] : memref<327680xi32, #tpu.memory_space<hbm>> -> memref<128xi32, #tpu.memory_space<hbm>>
        %dma_start3A_156 = tpu.memref_slice %arg3[%add3A_154] : memref<327680xi32, #tpu.memory_space<hbm>> -> memref<128xi32, #tpu.memory_space<hbm>>
        tpu.enqueue_dma source(%dma_start3A_156 : memref<128xi32, #tpu.memory_space<hbm>>) target(%arg12 : memref<128xi32, #tpu.memory_space<vmem>>) target_semaphore(%arg22 : memref<!tpu.dma_semaphore, #tpu.memory_space<semaphore_mem>>)
      } else {
      }
      "tpu.region"() ({
        %run_scoped3A = tpu.sem_alloc : memref<!tpu.dma_semaphore, #tpu.memory_space<semaphore_mem>>
        %dma_start3A_150 = arith.constant 0 : i32
        %dma_start3A_151 = arith.constant 0 : i32
        %dma_start3A_152 = tpu.memref_slice %arg16[%dma_start3A_150, %dma_start3A_151] : memref<10128x128xf32, #tpu.memory_space<vmem_shared>> -> memref<10128x128xf32, #tpu.memory_space<vmem_shared>>
        tpu.enqueue_indirect_dma source(%arg15 : memref<128x128xf32, #tpu.memory_space<vmem>>) target(%dma_start3A_152 : memref<10128x128xf32, #tpu.memory_space<vmem_shared>>) offsets(%arg13 : memref<128xi32, #tpu.memory_space<vmem>>) semaphore(%run_scoped3A : memref<!tpu.dma_semaphore, #tpu.memory_space<semaphore_mem>>) {add = true}
        %dma_wait3A_153 = arith.constant 0 : i32
        %dma_wait3A_154 = arith.constant 0 : i32
        %dma_wait3A_155 = tpu.memref_slice %arg16[%dma_wait3A_153, %dma_wait3A_154] : memref<10128x128xf32, #tpu.memory_space<vmem_shared>> -> memref<10128x128xf32, #tpu.memory_space<vmem_shared>>
        tpu.wait_indirect_dma semaphore(%run_scoped3A : memref<!tpu.dma_semaphore, #tpu.memory_space<semaphore_mem>>) src(%arg15 : memref<128x128xf32, #tpu.memory_space<vmem>>) dst(%dma_wait3A_155 : memref<10128x128xf32, #tpu.memory_space<vmem_shared>>)
        tpu.yield
      }) : () -> ()
      "tpu.region"() ({
        %run_scoped3A = tpu.sem_alloc : memref<!tpu.dma_semaphore, #tpu.memory_space<semaphore_mem>>
        %dma_start3A_150 = arith.constant 0 : i32
        %dma_start3A_151 = tpu.memref_slice %arg24[%dma_start3A_150] : memref<10240xf32, #tpu.memory_space<vmem_shared>> -> memref<10240xf32, #tpu.memory_space<vmem_shared>>
        tpu.enqueue_indirect_dma source(%arg23 : memref<128xf32, #tpu.memory_space<vmem>>) target(%dma_start3A_151 : memref<10240xf32, #tpu.memory_space<vmem_shared>>) offsets(%arg13 : memref<128xi32, #tpu.memory_space<vmem>>) semaphore(%run_scoped3A : memref<!tpu.dma_semaphore, #tpu.memory_space<semaphore_mem>>) {add = true}
        %dma_wait3A_152 = arith.constant 0 : i32
        %dma_wait3A_153 = tpu.memref_slice %arg24[%dma_wait3A_152] : memref<10240xf32, #tpu.memory_space<vmem_shared>> -> memref<10240xf32, #tpu.memory_space<vmem_shared>>
        tpu.wait_indirect_dma semaphore(%run_scoped3A : memref<!tpu.dma_semaphore, #tpu.memory_space<semaphore_mem>>) src(%arg23 : memref<128xf32, #tpu.memory_space<vmem>>) dst(%dma_wait3A_153 : memref<10240xf32, #tpu.memory_space<vmem_shared>>)
        tpu.yield
      }) : () -> ()
      %add3A_143 = arith.constant 2 : i32
      %add3A_144 = arith.addi %add3A_125, %add3A_143 : i32
      %lt3A_145 = arith.constant 80 : i32
      %lt3A_146 = arith.cmpi slt, %add3A_144, %lt3A_145 : i32
      %convert_element_type3A_147 = arith.extui %lt3A_146 : i1 to i32
      %cond3A_148 = arith.constant 0 : i32
      %cond3A_149 = arith.cmpi ne, %convert_element_type3A_147, %cond3A_148 : i32
      scf.if %cond3A_149 {
        %dma_wait3A_150 = arith.constant 0 : i32
        %dma_wait3A_151 = tpu.memref_slice %arg3[%dma_wait3A_150] : memref<327680xi32, #tpu.memory_space<hbm>> -> memref<128xi32, #tpu.memory_space<hbm>>
        %dma_wait3A_152 = arith.constant 0 : i32
        %dma_wait3A_153 = tpu.memref_slice %arg3[%dma_wait3A_152] : memref<327680xi32, #tpu.memory_space<hbm>> -> memref<128xi32, #tpu.memory_space<hbm>>
        tpu.wait_dma2 semaphore(%arg22 : memref<!tpu.dma_semaphore, #tpu.memory_space<semaphore_mem>>) src(%dma_wait3A_153 : memref<128xi32, #tpu.memory_space<hbm>>) dst(%arg12 : memref<128xi32, #tpu.memory_space<vmem>>)
        %dma_start3A_154 = arith.constant 0 : i32
        %dma_start3A_155 = arith.constant 0 : i32
        %dma_start3A_156 = tpu.memref_slice %arg2[%dma_start3A_154, %dma_start3A_155] : memref<10000x128xf32, #tpu.memory_space<hbm>> -> memref<10000x128xf32, #tpu.memory_space<hbm>>
        tpu.enqueue_indirect_dma source(%dma_start3A_156 : memref<10000x128xf32, #tpu.memory_space<hbm>>) target(%arg15 : memref<128x128xf32, #tpu.memory_space<vmem>>) offsets(%arg12 : memref<128xi32, #tpu.memory_space<vmem>>) semaphore(%arg18 : memref<!tpu.dma_semaphore, #tpu.memory_space<semaphore_mem>>)
        %add3A_157 = arith.constant 2 : i32
        %add3A_158 = arith.addi %add3A_125, %add3A_157 : i32
        %mul3A_159 = arith.constant 128 : i32
        %mul3A_160 = arith.muli %add3A_158, %mul3A_159 : i32
        %add3A_161 = arith.addi %mul3A_56, %mul3A_160 : i32
        %dma_start3A_162 = tpu.memref_slice %arg4[%add3A_161] : memref<327680xi32, #tpu.memory_space<hbm>> -> memref<128xi32, #tpu.memory_space<hbm>>
        %dma_start3A_163 = tpu.memref_slice %arg4[%add3A_161] : memref<327680xi32, #tpu.memory_space<hbm>> -> memref<128xi32, #tpu.memory_space<hbm>>
        tpu.enqueue_dma source(%dma_start3A_163 : memref<128xi32, #tpu.memory_space<hbm>>) target(%arg13 : memref<128xi32, #tpu.memory_space<vmem>>) target_semaphore(%arg20 : memref<!tpu.dma_semaphore, #tpu.memory_space<semaphore_mem>>)
      } else {
      }
    }
    %scan3A_78 = arith.constant 40 : i32
    %barrier3A_79 = arith.constant 0 : index
    tpu.barrier barrier_id(%barrier3A_79)
    "tpu.region"() ({
      %run_scoped3A = tpu.sem_alloc : memref<!tpu.dma_semaphore, #tpu.memory_space<semaphore_mem>>
      %dma_start3A_95 = arith.constant 0 : i32
      %dma_start3A_96 = tpu.memref_slice %arg7[%arg0, %mul3A_2, %dma_start3A_95] : memref<2x10000x128xf32, #tpu.memory_space<hbm>> -> memref<1x624x128xf32, #tpu.memory_space<hbm>>
      %dma_start3A_97 = tpu.memref_squeeze %dma_start3A_96 : memref<1x624x128xf32, #tpu.memory_space<hbm>> -> memref<624x128xf32, #tpu.memory_space<hbm>>
      %dma_start3A_98 = arith.constant 0 : i32
      %dma_start3A_99 = tpu.memref_slice %arg16[%mul3A_2, %dma_start3A_98] : memref<10128x128xf32, #tpu.memory_space<vmem_shared>> -> memref<624x128xf32, #tpu.memory_space<vmem_shared>>
      tpu.enqueue_dma source(%dma_start3A_99 : memref<624x128xf32, #tpu.memory_space<vmem_shared>>) target(%dma_start3A_97 : memref<624x128xf32, #tpu.memory_space<hbm>>) target_semaphore(%run_scoped3A : memref<!tpu.dma_semaphore, #tpu.memory_space<semaphore_mem>>)
      %dma_wait3A = arith.constant 0 : i32
      %dma_wait3A_100 = tpu.memref_slice %arg7[%arg0, %mul3A_2, %dma_wait3A] : memref<2x10000x128xf32, #tpu.memory_space<hbm>> -> memref<1x624x128xf32, #tpu.memory_space<hbm>>
      %dma_wait3A_101 = tpu.memref_squeeze %dma_wait3A_100 : memref<1x624x128xf32, #tpu.memory_space<hbm>> -> memref<624x128xf32, #tpu.memory_space<hbm>>
      %dma_wait3A_102 = arith.constant 0 : i32
      %dma_wait3A_103 = tpu.memref_slice %arg16[%mul3A_2, %dma_wait3A_102] : memref<10128x128xf32, #tpu.memory_space<vmem_shared>> -> memref<624x128xf32, #tpu.memory_space<vmem_shared>>
      tpu.wait_dma2 semaphore(%run_scoped3A : memref<!tpu.dma_semaphore, #tpu.memory_space<semaphore_mem>>) src(%dma_wait3A_103 : memref<624x128xf32, #tpu.memory_space<vmem_shared>>) dst(%dma_wait3A_101 : memref<624x128xf32, #tpu.memory_space<hbm>>)
      tpu.yield
    }) : () -> ()
    %eq3A_80 = arith.constant 0 : i32
    %eq3A_81 = arith.cmpi eq, %arg1, %eq3A_80 : i32
    %convert_element_type3A_82 = arith.extui %eq3A_81 : i1 to i32
    %cond3A_83 = arith.constant 0 : i32
    %cond3A_84 = arith.cmpi ne, %convert_element_type3A_82, %cond3A_83 : i32
    scf.if %cond3A_84 {
      "tpu.region"() ({
        %run_scoped3A = tpu.sem_alloc : memref<!tpu.dma_semaphore, #tpu.memory_space<semaphore_mem>>
        %dma_start3A_95 = arith.constant 9984 : i32
        %dma_start3A_96 = arith.constant 0 : i32
        %dma_start3A_97 = tpu.memref_slice %arg7[%arg0, %dma_start3A_95, %dma_start3A_96] : memref<2x10000x128xf32, #tpu.memory_space<hbm>> -> memref<1x16x128xf32, #tpu.memory_space<hbm>>
        %dma_start3A_98 = tpu.memref_squeeze %dma_start3A_97 : memref<1x16x128xf32, #tpu.memory_space<hbm>> -> memref<16x128xf32, #tpu.memory_space<hbm>>
        %dma_start3A_99 = arith.constant 9984 : i32
        %dma_start3A_100 = arith.constant 0 : i32
        %dma_start3A_101 = tpu.memref_slice %arg16[%dma_start3A_99, %dma_start3A_100] : memref<10128x128xf32, #tpu.memory_space<vmem_shared>> -> memref<16x128xf32, #tpu.memory_space<vmem_shared>>
        tpu.enqueue_dma source(%dma_start3A_101 : memref<16x128xf32, #tpu.memory_space<vmem_shared>>) target(%dma_start3A_98 : memref<16x128xf32, #tpu.memory_space<hbm>>) target_semaphore(%run_scoped3A : memref<!tpu.dma_semaphore, #tpu.memory_space<semaphore_mem>>)
        %dma_wait3A = arith.constant 9984 : i32
        %dma_wait3A_102 = arith.constant 0 : i32
        %dma_wait3A_103 = tpu.memref_slice %arg7[%arg0, %dma_wait3A, %dma_wait3A_102] : memref<2x10000x128xf32, #tpu.memory_space<hbm>> -> memref<1x16x128xf32, #tpu.memory_space<hbm>>
        %dma_wait3A_104 = tpu.memref_squeeze %dma_wait3A_103 : memref<1x16x128xf32, #tpu.memory_space<hbm>> -> memref<16x128xf32, #tpu.memory_space<hbm>>
        %dma_wait3A_105 = arith.constant 9984 : i32
        %dma_wait3A_106 = arith.constant 0 : i32
        %dma_wait3A_107 = tpu.memref_slice %arg16[%dma_wait3A_105, %dma_wait3A_106] : memref<10128x128xf32, #tpu.memory_space<vmem_shared>> -> memref<16x128xf32, #tpu.memory_space<vmem_shared>>
        tpu.wait_dma2 semaphore(%run_scoped3A : memref<!tpu.dma_semaphore, #tpu.memory_space<semaphore_mem>>) src(%dma_wait3A_107 : memref<16x128xf32, #tpu.memory_space<vmem_shared>>) dst(%dma_wait3A_104 : memref<16x128xf32, #tpu.memory_space<hbm>>)
        tpu.yield
      }) : () -> ()
    } else {
    }
    %eq3A_85 = arith.constant 0 : i32
    %eq3A_86 = arith.cmpi eq, %arg0, %eq3A_85 : i32
    %convert_element_type3A_87 = arith.extui %eq3A_86 : i1 to i32
    %cond3A_88 = arith.constant 0 : i32
    %cond3A_89 = arith.cmpi ne, %convert_element_type3A_87, %cond3A_88 : i32
    scf.if %cond3A_89 {
      "tpu.region"() ({
        %run_scoped3A = tpu.sem_alloc : memref<!tpu.dma_semaphore, #tpu.memory_space<semaphore_mem>>
        %dma_start3A_95 = tpu.memref_slice %arg8[%mul3A_6] : memref<10240xf32, #tpu.memory_space<hbm>> -> memref<640xf32, #tpu.memory_space<hbm>>
        %dma_start3A_96 = tpu.memref_slice %arg24[%mul3A_6] : memref<10240xf32, #tpu.memory_space<vmem_shared>> -> memref<640xf32, #tpu.memory_space<vmem_shared>>
        tpu.enqueue_dma source(%dma_start3A_96 : memref<640xf32, #tpu.memory_space<vmem_shared>>) target(%dma_start3A_95 : memref<640xf32, #tpu.memory_space<hbm>>) target_semaphore(%run_scoped3A : memref<!tpu.dma_semaphore, #tpu.memory_space<semaphore_mem>>)
        %dma_wait3A = tpu.memref_slice %arg8[%mul3A_6] : memref<10240xf32, #tpu.memory_space<hbm>> -> memref<640xf32, #tpu.memory_space<hbm>>
        %dma_wait3A_97 = tpu.memref_slice %arg24[%mul3A_6] : memref<10240xf32, #tpu.memory_space<vmem_shared>> -> memref<640xf32, #tpu.memory_space<vmem_shared>>
        tpu.wait_dma2 semaphore(%run_scoped3A : memref<!tpu.dma_semaphore, #tpu.memory_space<semaphore_mem>>) src(%dma_wait3A_97 : memref<640xf32, #tpu.memory_space<vmem_shared>>) dst(%dma_wait3A : memref<640xf32, #tpu.memory_space<hbm>>)
        tpu.yield
      }) : () -> ()
    } else {
    }
    %eq3A_90 = arith.constant 1 : i32
    %eq3A_91 = arith.cmpi eq, %arg0, %eq3A_90 : i32
    %convert_element_type3A_92 = arith.extui %eq3A_91 : i1 to i32
    %cond3A_93 = arith.constant 0 : i32
    %cond3A_94 = arith.cmpi ne, %convert_element_type3A_92, %cond3A_93 : i32
    scf.if %cond3A_94 {
      "tpu.region"() ({
        %run_scoped3A = tpu.sem_alloc : memref<!tpu.dma_semaphore, #tpu.memory_space<semaphore_mem>>
        %dma_start3A_95 = tpu.memref_slice %arg9[%mul3A_6] : memref<10240xf32, #tpu.memory_space<hbm>> -> memref<640xf32, #tpu.memory_space<hbm>>
        %dma_start3A_96 = tpu.memref_slice %arg24[%mul3A_6] : memref<10240xf32, #tpu.memory_space<vmem_shared>> -> memref<640xf32, #tpu.memory_space<vmem_shared>>
        tpu.enqueue_dma source(%dma_start3A_96 : memref<640xf32, #tpu.memory_space<vmem_shared>>) target(%dma_start3A_95 : memref<640xf32, #tpu.memory_space<hbm>>) target_semaphore(%run_scoped3A : memref<!tpu.dma_semaphore, #tpu.memory_space<semaphore_mem>>)
        %dma_wait3A = tpu.memref_slice %arg9[%mul3A_6] : memref<10240xf32, #tpu.memory_space<hbm>> -> memref<640xf32, #tpu.memory_space<hbm>>
        %dma_wait3A_97 = tpu.memref_slice %arg24[%mul3A_6] : memref<10240xf32, #tpu.memory_space<vmem_shared>> -> memref<640xf32, #tpu.memory_space<vmem_shared>>
        tpu.wait_dma2 semaphore(%run_scoped3A : memref<!tpu.dma_semaphore, #tpu.memory_space<semaphore_mem>>) src(%dma_wait3A_97 : memref<640xf32, #tpu.memory_space<vmem_shared>>) dst(%dma_wait3A : memref<640xf32, #tpu.memory_space<hbm>>)
        tpu.yield
      }) : () -> ()
    } else {
    }
    return
  }
}

#map = affine_map<(d0, d1) -> (0, 0)>
#map1 = affine_map<(d0, d1) -> (0)>
#map2 = affine_map<(d0, d1) -> (0, 0, 0)>
module attributes {stable_mosaic.version = 14 : i64} {
  func.func @segsum(%arg0: i32, %arg1: i32, %arg2: memref<10000x128xf32, #tpu.memory_space<hbm>>, %arg3: memref<327680xi32, #tpu.memory_space<hbm>>, %arg4: memref<327680xi32, #tpu.memory_space<hbm>>, %arg5: memref<10000x128xf32, #tpu.memory_space<hbm>>, %arg6: memref<10240xf32, #tpu.memory_space<hbm>>, %arg7: memref<2x10000x128xf32, #tpu.memory_space<hbm>>, %arg8: memref<128xi32, #tpu.memory_space<vmem>>, %arg9: memref<128xi32, #tpu.memory_space<vmem>>, %arg10: memref<128xi32, #tpu.memory_space<vmem>>, %arg11: memref<128xi32, #tpu.memory_space<vmem>>, %arg12: memref<128x128xf32, #tpu.memory_space<vmem>>, %arg13: memref<128x128xf32, #tpu.memory_space<vmem>>, %arg14: memref<10128x128xf32, #tpu.memory_space<vmem_shared>>, %arg15: memref<!tpu.dma_semaphore, #tpu.memory_space<semaphore_mem>>, %arg16: memref<!tpu.dma_semaphore, #tpu.memory_space<semaphore_mem>>, %arg17: memref<!tpu.dma_semaphore, #tpu.memory_space<semaphore_mem>>, %arg18: memref<!tpu.dma_semaphore, #tpu.memory_space<semaphore_mem>>, %arg19: memref<!tpu.dma_semaphore, #tpu.memory_space<semaphore_mem>>, %arg20: memref<!tpu.dma_semaphore, #tpu.memory_space<semaphore_mem>>) attributes {dimension_semantics = [#tpu.dimension_semantics<core_parallel>, #tpu.dimension_semantics<subcore_parallel>], iteration_bounds = array<i64: 2, 16>, scalar_prefetch = 0 : i64, scratch_operands = 13 : i64, tpu.core_type = #tpu.core_type<sc_vector_subcore>, window_params = [{transform_indices = #map}, {transform_indices = #map1}, {transform_indices = #map1}, {transform_indices = #map}, {transform_indices = #map1}, {transform_indices = #map2}]} {
    %mul3A = arith.constant 2 : i32
    %mul3A_0 = arith.muli %arg1, %mul3A : i32
    %add3A = arith.addi %mul3A_0, %arg0 : i32
    %mul3A_1 = arith.constant 624 : i32
    %mul3A_2 = arith.muli %arg1, %mul3A_1 : i32
    "tpu.region"() ({
      %run_scoped3A = tpu.sem_alloc : memref<!tpu.dma_semaphore, #tpu.memory_space<semaphore_mem>>
      %dma_start3A_37 = arith.constant 0 : i32
      %dma_start3A_38 = tpu.memref_slice %arg14[%mul3A_2, %dma_start3A_37] : memref<10128x128xf32, #tpu.memory_space<vmem_shared>> -> memref<624x128xf32, #tpu.memory_space<vmem_shared>>
      %dma_start3A_39 = arith.constant 0 : i32
      %dma_start3A_40 = tpu.memref_slice %arg5[%mul3A_2, %dma_start3A_39] : memref<10000x128xf32, #tpu.memory_space<hbm>> -> memref<624x128xf32, #tpu.memory_space<hbm>>
      tpu.enqueue_dma source(%dma_start3A_40 : memref<624x128xf32, #tpu.memory_space<hbm>>) target(%dma_start3A_38 : memref<624x128xf32, #tpu.memory_space<vmem_shared>>) target_semaphore(%run_scoped3A : memref<!tpu.dma_semaphore, #tpu.memory_space<semaphore_mem>>)
      %dma_wait3A = arith.constant 0 : i32
      %dma_wait3A_41 = tpu.memref_slice %arg14[%mul3A_2, %dma_wait3A] : memref<10128x128xf32, #tpu.memory_space<vmem_shared>> -> memref<624x128xf32, #tpu.memory_space<vmem_shared>>
      %dma_wait3A_42 = arith.constant 0 : i32
      %dma_wait3A_43 = tpu.memref_slice %arg5[%mul3A_2, %dma_wait3A_42] : memref<10000x128xf32, #tpu.memory_space<hbm>> -> memref<624x128xf32, #tpu.memory_space<hbm>>
      tpu.wait_dma2 semaphore(%run_scoped3A : memref<!tpu.dma_semaphore, #tpu.memory_space<semaphore_mem>>) src(%dma_wait3A_43 : memref<624x128xf32, #tpu.memory_space<hbm>>) dst(%dma_wait3A_41 : memref<624x128xf32, #tpu.memory_space<vmem_shared>>)
      tpu.yield
    }) : () -> ()
    %eq3A = arith.constant 0 : i32
    %eq3A_3 = arith.cmpi eq, %arg1, %eq3A : i32
    %convert_element_type3A = arith.extui %eq3A_3 : i1 to i32
    %cond3A = arith.constant 0 : i32
    %cond3A_4 = arith.cmpi ne, %convert_element_type3A, %cond3A : i32
    scf.if %cond3A_4 {
      "tpu.region"() ({
        %run_scoped3A = tpu.sem_alloc : memref<!tpu.dma_semaphore, #tpu.memory_space<semaphore_mem>>
        %dma_start3A_37 = arith.constant 9984 : i32
        %dma_start3A_38 = arith.constant 0 : i32
        %dma_start3A_39 = tpu.memref_slice %arg14[%dma_start3A_37, %dma_start3A_38] : memref<10128x128xf32, #tpu.memory_space<vmem_shared>> -> memref<16x128xf32, #tpu.memory_space<vmem_shared>>
        %dma_start3A_40 = arith.constant 9984 : i32
        %dma_start3A_41 = arith.constant 0 : i32
        %dma_start3A_42 = tpu.memref_slice %arg5[%dma_start3A_40, %dma_start3A_41] : memref<10000x128xf32, #tpu.memory_space<hbm>> -> memref<16x128xf32, #tpu.memory_space<hbm>>
        tpu.enqueue_dma source(%dma_start3A_42 : memref<16x128xf32, #tpu.memory_space<hbm>>) target(%dma_start3A_39 : memref<16x128xf32, #tpu.memory_space<vmem_shared>>) target_semaphore(%run_scoped3A : memref<!tpu.dma_semaphore, #tpu.memory_space<semaphore_mem>>)
        %dma_wait3A = arith.constant 9984 : i32
        %dma_wait3A_43 = arith.constant 0 : i32
        %dma_wait3A_44 = tpu.memref_slice %arg14[%dma_wait3A, %dma_wait3A_43] : memref<10128x128xf32, #tpu.memory_space<vmem_shared>> -> memref<16x128xf32, #tpu.memory_space<vmem_shared>>
        %dma_wait3A_45 = arith.constant 9984 : i32
        %dma_wait3A_46 = arith.constant 0 : i32
        %dma_wait3A_47 = tpu.memref_slice %arg5[%dma_wait3A_45, %dma_wait3A_46] : memref<10000x128xf32, #tpu.memory_space<hbm>> -> memref<16x128xf32, #tpu.memory_space<hbm>>
        tpu.wait_dma2 semaphore(%run_scoped3A : memref<!tpu.dma_semaphore, #tpu.memory_space<semaphore_mem>>) src(%dma_wait3A_47 : memref<16x128xf32, #tpu.memory_space<hbm>>) dst(%dma_wait3A_44 : memref<16x128xf32, #tpu.memory_space<vmem_shared>>)
        tpu.yield
      }) : () -> ()
    } else {
    }
    %barrier3A = arith.constant 0 : index
    tpu.barrier barrier_id(%barrier3A)
    %mul3A_5 = arith.constant 80 : i32
    %mul3A_6 = arith.muli %add3A, %mul3A_5 : i32
    %mul3A_7 = arith.constant 128 : i32
    %mul3A_8 = arith.muli %mul3A_6, %mul3A_7 : i32
    %add3A_9 = arith.constant 0 : i32
    %add3A_10 = arith.addi %mul3A_8, %add3A_9 : i32
    "tpu.region"() ({
      %run_scoped3A = tpu.sem_alloc : memref<!tpu.dma_semaphore, #tpu.memory_space<semaphore_mem>>
      %dma_start3A_37 = tpu.memref_slice %arg3[%add3A_10] : memref<327680xi32, #tpu.memory_space<hbm>> -> memref<128xi32, #tpu.memory_space<hbm>>
      %dma_start3A_38 = tpu.memref_slice %arg3[%add3A_10] : memref<327680xi32, #tpu.memory_space<hbm>> -> memref<128xi32, #tpu.memory_space<hbm>>
      tpu.enqueue_dma source(%dma_start3A_38 : memref<128xi32, #tpu.memory_space<hbm>>) target(%arg8 : memref<128xi32, #tpu.memory_space<vmem>>) target_semaphore(%run_scoped3A : memref<!tpu.dma_semaphore, #tpu.memory_space<semaphore_mem>>)
      %dma_wait3A = tpu.memref_slice %arg3[%add3A_10] : memref<327680xi32, #tpu.memory_space<hbm>> -> memref<128xi32, #tpu.memory_space<hbm>>
      %dma_wait3A_39 = tpu.memref_slice %arg3[%add3A_10] : memref<327680xi32, #tpu.memory_space<hbm>> -> memref<128xi32, #tpu.memory_space<hbm>>
      tpu.wait_dma2 semaphore(%run_scoped3A : memref<!tpu.dma_semaphore, #tpu.memory_space<semaphore_mem>>) src(%dma_wait3A_39 : memref<128xi32, #tpu.memory_space<hbm>>) dst(%arg8 : memref<128xi32, #tpu.memory_space<vmem>>)
      tpu.yield
    }) : () -> ()
    %add3A_11 = arith.constant 0 : i32
    %add3A_12 = arith.addi %mul3A_8, %add3A_11 : i32
    %dma_start3A = tpu.memref_slice %arg4[%add3A_12] : memref<327680xi32, #tpu.memory_space<hbm>> -> memref<128xi32, #tpu.memory_space<hbm>>
    %dma_start3A_13 = tpu.memref_slice %arg4[%add3A_12] : memref<327680xi32, #tpu.memory_space<hbm>> -> memref<128xi32, #tpu.memory_space<hbm>>
    tpu.enqueue_dma source(%dma_start3A_13 : memref<128xi32, #tpu.memory_space<hbm>>) target(%arg9 : memref<128xi32, #tpu.memory_space<vmem>>) target_semaphore(%arg17 : memref<!tpu.dma_semaphore, #tpu.memory_space<semaphore_mem>>)
    %dma_start3A_14 = arith.constant 0 : i32
    %dma_start3A_15 = arith.constant 0 : i32
    %dma_start3A_16 = tpu.memref_slice %arg2[%dma_start3A_14, %dma_start3A_15] : memref<10000x128xf32, #tpu.memory_space<hbm>> -> memref<10000x128xf32, #tpu.memory_space<hbm>>
    tpu.enqueue_indirect_dma source(%dma_start3A_16 : memref<10000x128xf32, #tpu.memory_space<hbm>>) target(%arg12 : memref<128x128xf32, #tpu.memory_space<vmem>>) offsets(%arg8 : memref<128xi32, #tpu.memory_space<vmem>>) semaphore(%arg15 : memref<!tpu.dma_semaphore, #tpu.memory_space<semaphore_mem>>)
    %add3A_17 = arith.constant 128 : i32
    %add3A_18 = arith.addi %mul3A_8, %add3A_17 : i32
    "tpu.region"() ({
      %run_scoped3A = tpu.sem_alloc : memref<!tpu.dma_semaphore, #tpu.memory_space<semaphore_mem>>
      %dma_start3A_37 = tpu.memref_slice %arg3[%add3A_18] : memref<327680xi32, #tpu.memory_space<hbm>> -> memref<128xi32, #tpu.memory_space<hbm>>
      %dma_start3A_38 = tpu.memref_slice %arg3[%add3A_18] : memref<327680xi32, #tpu.memory_space<hbm>> -> memref<128xi32, #tpu.memory_space<hbm>>
      tpu.enqueue_dma source(%dma_start3A_38 : memref<128xi32, #tpu.memory_space<hbm>>) target(%arg10 : memref<128xi32, #tpu.memory_space<vmem>>) target_semaphore(%run_scoped3A : memref<!tpu.dma_semaphore, #tpu.memory_space<semaphore_mem>>)
      %dma_wait3A = tpu.memref_slice %arg3[%add3A_18] : memref<327680xi32, #tpu.memory_space<hbm>> -> memref<128xi32, #tpu.memory_space<hbm>>
      %dma_wait3A_39 = tpu.memref_slice %arg3[%add3A_18] : memref<327680xi32, #tpu.memory_space<hbm>> -> memref<128xi32, #tpu.memory_space<hbm>>
      tpu.wait_dma2 semaphore(%run_scoped3A : memref<!tpu.dma_semaphore, #tpu.memory_space<semaphore_mem>>) src(%dma_wait3A_39 : memref<128xi32, #tpu.memory_space<hbm>>) dst(%arg10 : memref<128xi32, #tpu.memory_space<vmem>>)
      tpu.yield
    }) : () -> ()
    %add3A_19 = arith.constant 128 : i32
    %add3A_20 = arith.addi %mul3A_8, %add3A_19 : i32
    %dma_start3A_21 = tpu.memref_slice %arg4[%add3A_20] : memref<327680xi32, #tpu.memory_space<hbm>> -> memref<128xi32, #tpu.memory_space<hbm>>
    %dma_start3A_22 = tpu.memref_slice %arg4[%add3A_20] : memref<327680xi32, #tpu.memory_space<hbm>> -> memref<128xi32, #tpu.memory_space<hbm>>
    tpu.enqueue_dma source(%dma_start3A_22 : memref<128xi32, #tpu.memory_space<hbm>>) target(%arg11 : memref<128xi32, #tpu.memory_space<vmem>>) target_semaphore(%arg18 : memref<!tpu.dma_semaphore, #tpu.memory_space<semaphore_mem>>)
    %dma_start3A_23 = arith.constant 0 : i32
    %dma_start3A_24 = arith.constant 0 : i32
    %dma_start3A_25 = tpu.memref_slice %arg2[%dma_start3A_23, %dma_start3A_24] : memref<10000x128xf32, #tpu.memory_space<hbm>> -> memref<10000x128xf32, #tpu.memory_space<hbm>>
    tpu.enqueue_indirect_dma source(%dma_start3A_25 : memref<10000x128xf32, #tpu.memory_space<hbm>>) target(%arg13 : memref<128x128xf32, #tpu.memory_space<vmem>>) offsets(%arg10 : memref<128xi32, #tpu.memory_space<vmem>>) semaphore(%arg16 : memref<!tpu.dma_semaphore, #tpu.memory_space<semaphore_mem>>)
    %scan3A = arith.constant 0 : i32
    %scan3A_26 = arith.constant 0 : i32
    %scan3A_27 = arith.constant 40 : i32
    %scan3A_28 = arith.addi %scan3A_26, %scan3A_27 : i32
    %scan3A_29 = arith.constant 1 : i32
    scf.for %scan3A_37 = %scan3A_26 to %scan3A_28 step %scan3A_29  : i32 {
      %mul3A_38 = arith.constant 2 : i32
      %mul3A_39 = arith.muli %scan3A_37, %mul3A_38 : i32
      %add3A_40 = arith.constant 0 : i32
      %add3A_41 = arith.addi %mul3A_39, %add3A_40 : i32
      %dma_wait3A = arith.constant 0 : i32
      %dma_wait3A_42 = arith.constant 0 : i32
      %dma_wait3A_43 = tpu.memref_slice %arg2[%dma_wait3A, %dma_wait3A_42] : memref<10000x128xf32, #tpu.memory_space<hbm>> -> memref<128x128xf32, #tpu.memory_space<hbm>>
      %dma_wait3A_44 = arith.constant 0 : i32
      %dma_wait3A_45 = arith.constant 0 : i32
      %dma_wait3A_46 = tpu.memref_slice %arg2[%dma_wait3A_44, %dma_wait3A_45] : memref<10000x128xf32, #tpu.memory_space<hbm>> -> memref<128x128xf32, #tpu.memory_space<hbm>>
      tpu.wait_dma2 semaphore(%arg15 : memref<!tpu.dma_semaphore, #tpu.memory_space<semaphore_mem>>) src(%dma_wait3A_46 : memref<128x128xf32, #tpu.memory_space<hbm>>) dst(%arg12 : memref<128x128xf32, #tpu.memory_space<vmem>>)
      %dma_wait3A_47 = arith.constant 0 : i32
      %dma_wait3A_48 = tpu.memref_slice %arg4[%dma_wait3A_47] : memref<327680xi32, #tpu.memory_space<hbm>> -> memref<128xi32, #tpu.memory_space<hbm>>
      %dma_wait3A_49 = arith.constant 0 : i32
      %dma_wait3A_50 = tpu.memref_slice %arg4[%dma_wait3A_49] : memref<327680xi32, #tpu.memory_space<hbm>> -> memref<128xi32, #tpu.memory_space<hbm>>
      tpu.wait_dma2 semaphore(%arg17 : memref<!tpu.dma_semaphore, #tpu.memory_space<semaphore_mem>>) src(%dma_wait3A_50 : memref<128xi32, #tpu.memory_space<hbm>>) dst(%arg9 : memref<128xi32, #tpu.memory_space<vmem>>)
      %add3A_51 = arith.constant 2 : i32
      %add3A_52 = arith.addi %add3A_41, %add3A_51 : i32
      %lt3A = arith.constant 80 : i32
      %lt3A_53 = arith.cmpi slt, %add3A_52, %lt3A : i32
      %convert_element_type3A_54 = arith.extui %lt3A_53 : i1 to i32
      %cond3A_55 = arith.constant 0 : i32
      %cond3A_56 = arith.cmpi ne, %convert_element_type3A_54, %cond3A_55 : i32
      scf.if %cond3A_56 {
        %add3A_92 = arith.constant 2 : i32
        %add3A_93 = arith.addi %add3A_41, %add3A_92 : i32
        %mul3A_94 = arith.constant 128 : i32
        %mul3A_95 = arith.muli %add3A_93, %mul3A_94 : i32
        %add3A_96 = arith.addi %mul3A_8, %mul3A_95 : i32
        %dma_start3A_97 = tpu.memref_slice %arg3[%add3A_96] : memref<327680xi32, #tpu.memory_space<hbm>> -> memref<128xi32, #tpu.memory_space<hbm>>
        %dma_start3A_98 = tpu.memref_slice %arg3[%add3A_96] : memref<327680xi32, #tpu.memory_space<hbm>> -> memref<128xi32, #tpu.memory_space<hbm>>
        tpu.enqueue_dma source(%dma_start3A_98 : memref<128xi32, #tpu.memory_space<hbm>>) target(%arg8 : memref<128xi32, #tpu.memory_space<vmem>>) target_semaphore(%arg19 : memref<!tpu.dma_semaphore, #tpu.memory_space<semaphore_mem>>)
      } else {
      }
      "tpu.region"() ({
        %run_scoped3A = tpu.sem_alloc : memref<!tpu.dma_semaphore, #tpu.memory_space<semaphore_mem>>
        %dma_start3A_92 = arith.constant 0 : i32
        %dma_start3A_93 = arith.constant 0 : i32
        %dma_start3A_94 = tpu.memref_slice %arg14[%dma_start3A_92, %dma_start3A_93] : memref<10128x128xf32, #tpu.memory_space<vmem_shared>> -> memref<10128x128xf32, #tpu.memory_space<vmem_shared>>
        tpu.enqueue_indirect_dma source(%arg12 : memref<128x128xf32, #tpu.memory_space<vmem>>) target(%dma_start3A_94 : memref<10128x128xf32, #tpu.memory_space<vmem_shared>>) offsets(%arg9 : memref<128xi32, #tpu.memory_space<vmem>>) semaphore(%run_scoped3A : memref<!tpu.dma_semaphore, #tpu.memory_space<semaphore_mem>>) {add = true}
        %dma_wait3A_95 = arith.constant 0 : i32
        %dma_wait3A_96 = arith.constant 0 : i32
        %dma_wait3A_97 = tpu.memref_slice %arg14[%dma_wait3A_95, %dma_wait3A_96] : memref<10128x128xf32, #tpu.memory_space<vmem_shared>> -> memref<10128x128xf32, #tpu.memory_space<vmem_shared>>
        tpu.wait_indirect_dma semaphore(%run_scoped3A : memref<!tpu.dma_semaphore, #tpu.memory_space<semaphore_mem>>) src(%arg12 : memref<128x128xf32, #tpu.memory_space<vmem>>) dst(%dma_wait3A_97 : memref<10128x128xf32, #tpu.memory_space<vmem_shared>>)
        tpu.yield
      }) : () -> ()
      %add3A_57 = arith.constant 2 : i32
      %add3A_58 = arith.addi %add3A_41, %add3A_57 : i32
      %lt3A_59 = arith.constant 80 : i32
      %lt3A_60 = arith.cmpi slt, %add3A_58, %lt3A_59 : i32
      %convert_element_type3A_61 = arith.extui %lt3A_60 : i1 to i32
      %cond3A_62 = arith.constant 0 : i32
      %cond3A_63 = arith.cmpi ne, %convert_element_type3A_61, %cond3A_62 : i32
      scf.if %cond3A_63 {
        %dma_wait3A_92 = arith.constant 0 : i32
        %dma_wait3A_93 = tpu.memref_slice %arg3[%dma_wait3A_92] : memref<327680xi32, #tpu.memory_space<hbm>> -> memref<128xi32, #tpu.memory_space<hbm>>
        %dma_wait3A_94 = arith.constant 0 : i32
        %dma_wait3A_95 = tpu.memref_slice %arg3[%dma_wait3A_94] : memref<327680xi32, #tpu.memory_space<hbm>> -> memref<128xi32, #tpu.memory_space<hbm>>
        tpu.wait_dma2 semaphore(%arg19 : memref<!tpu.dma_semaphore, #tpu.memory_space<semaphore_mem>>) src(%dma_wait3A_95 : memref<128xi32, #tpu.memory_space<hbm>>) dst(%arg8 : memref<128xi32, #tpu.memory_space<vmem>>)
        %dma_start3A_96 = arith.constant 0 : i32
        %dma_start3A_97 = arith.constant 0 : i32
        %dma_start3A_98 = tpu.memref_slice %arg2[%dma_start3A_96, %dma_start3A_97] : memref<10000x128xf32, #tpu.memory_space<hbm>> -> memref<10000x128xf32, #tpu.memory_space<hbm>>
        tpu.enqueue_indirect_dma source(%dma_start3A_98 : memref<10000x128xf32, #tpu.memory_space<hbm>>) target(%arg12 : memref<128x128xf32, #tpu.memory_space<vmem>>) offsets(%arg8 : memref<128xi32, #tpu.memory_space<vmem>>) semaphore(%arg15 : memref<!tpu.dma_semaphore, #tpu.memory_space<semaphore_mem>>)
        %add3A_99 = arith.constant 2 : i32
        %add3A_100 = arith.addi %add3A_41, %add3A_99 : i32
        %mul3A_101 = arith.constant 128 : i32
        %mul3A_102 = arith.muli %add3A_100, %mul3A_101 : i32
        %add3A_103 = arith.addi %mul3A_8, %mul3A_102 : i32
        %dma_start3A_104 = tpu.memref_slice %arg4[%add3A_103] : memref<327680xi32, #tpu.memory_space<hbm>> -> memref<128xi32, #tpu.memory_space<hbm>>
        %dma_start3A_105 = tpu.memref_slice %arg4[%add3A_103] : memref<327680xi32, #tpu.memory_space<hbm>> -> memref<128xi32, #tpu.memory_space<hbm>>
        tpu.enqueue_dma source(%dma_start3A_105 : memref<128xi32, #tpu.memory_space<hbm>>) target(%arg9 : memref<128xi32, #tpu.memory_space<vmem>>) target_semaphore(%arg17 : memref<!tpu.dma_semaphore, #tpu.memory_space<semaphore_mem>>)
      } else {
      }
      %mul3A_64 = arith.constant 2 : i32
      %mul3A_65 = arith.muli %scan3A_37, %mul3A_64 : i32
      %add3A_66 = arith.constant 1 : i32
      %add3A_67 = arith.addi %mul3A_65, %add3A_66 : i32
      %dma_wait3A_68 = arith.constant 0 : i32
      %dma_wait3A_69 = arith.constant 0 : i32
      %dma_wait3A_70 = tpu.memref_slice %arg2[%dma_wait3A_68, %dma_wait3A_69] : memref<10000x128xf32, #tpu.memory_space<hbm>> -> memref<128x128xf32, #tpu.memory_space<hbm>>
      %dma_wait3A_71 = arith.constant 0 : i32
      %dma_wait3A_72 = arith.constant 0 : i32
      %dma_wait3A_73 = tpu.memref_slice %arg2[%dma_wait3A_71, %dma_wait3A_72] : memref<10000x128xf32, #tpu.memory_space<hbm>> -> memref<128x128xf32, #tpu.memory_space<hbm>>
      tpu.wait_dma2 semaphore(%arg16 : memref<!tpu.dma_semaphore, #tpu.memory_space<semaphore_mem>>) src(%dma_wait3A_73 : memref<128x128xf32, #tpu.memory_space<hbm>>) dst(%arg13 : memref<128x128xf32, #tpu.memory_space<vmem>>)
      %dma_wait3A_74 = arith.constant 0 : i32
      %dma_wait3A_75 = tpu.memref_slice %arg4[%dma_wait3A_74] : memref<327680xi32, #tpu.memory_space<hbm>> -> memref<128xi32, #tpu.memory_space<hbm>>
      %dma_wait3A_76 = arith.constant 0 : i32
      %dma_wait3A_77 = tpu.memref_slice %arg4[%dma_wait3A_76] : memref<327680xi32, #tpu.memory_space<hbm>> -> memref<128xi32, #tpu.memory_space<hbm>>
      tpu.wait_dma2 semaphore(%arg18 : memref<!tpu.dma_semaphore, #tpu.memory_space<semaphore_mem>>) src(%dma_wait3A_77 : memref<128xi32, #tpu.memory_space<hbm>>) dst(%arg11 : memref<128xi32, #tpu.memory_space<vmem>>)
      %add3A_78 = arith.constant 2 : i32
      %add3A_79 = arith.addi %add3A_67, %add3A_78 : i32
      %lt3A_80 = arith.constant 80 : i32
      %lt3A_81 = arith.cmpi slt, %add3A_79, %lt3A_80 : i32
      %convert_element_type3A_82 = arith.extui %lt3A_81 : i1 to i32
      %cond3A_83 = arith.constant 0 : i32
      %cond3A_84 = arith.cmpi ne, %convert_element_type3A_82, %cond3A_83 : i32
      scf.if %cond3A_84 {
        %add3A_92 = arith.constant 2 : i32
        %add3A_93 = arith.addi %add3A_67, %add3A_92 : i32
        %mul3A_94 = arith.constant 128 : i32
        %mul3A_95 = arith.muli %add3A_93, %mul3A_94 : i32
        %add3A_96 = arith.addi %mul3A_8, %mul3A_95 : i32
        %dma_start3A_97 = tpu.memref_slice %arg3[%add3A_96] : memref<327680xi32, #tpu.memory_space<hbm>> -> memref<128xi32, #tpu.memory_space<hbm>>
        %dma_start3A_98 = tpu.memref_slice %arg3[%add3A_96] : memref<327680xi32, #tpu.memory_space<hbm>> -> memref<128xi32, #tpu.memory_space<hbm>>
        tpu.enqueue_dma source(%dma_start3A_98 : memref<128xi32, #tpu.memory_space<hbm>>) target(%arg10 : memref<128xi32, #tpu.memory_space<vmem>>) target_semaphore(%arg20 : memref<!tpu.dma_semaphore, #tpu.memory_space<semaphore_mem>>)
      } else {
      }
      "tpu.region"() ({
        %run_scoped3A = tpu.sem_alloc : memref<!tpu.dma_semaphore, #tpu.memory_space<semaphore_mem>>
        %dma_start3A_92 = arith.constant 0 : i32
        %dma_start3A_93 = arith.constant 0 : i32
        %dma_start3A_94 = tpu.memref_slice %arg14[%dma_start3A_92, %dma_start3A_93] : memref<10128x128xf32, #tpu.memory_space<vmem_shared>> -> memref<10128x128xf32, #tpu.memory_space<vmem_shared>>
        tpu.enqueue_indirect_dma source(%arg13 : memref<128x128xf32, #tpu.memory_space<vmem>>) target(%dma_start3A_94 : memref<10128x128xf32, #tpu.memory_space<vmem_shared>>) offsets(%arg11 : memref<128xi32, #tpu.memory_space<vmem>>) semaphore(%run_scoped3A : memref<!tpu.dma_semaphore, #tpu.memory_space<semaphore_mem>>) {add = true}
        %dma_wait3A_95 = arith.constant 0 : i32
        %dma_wait3A_96 = arith.constant 0 : i32
        %dma_wait3A_97 = tpu.memref_slice %arg14[%dma_wait3A_95, %dma_wait3A_96] : memref<10128x128xf32, #tpu.memory_space<vmem_shared>> -> memref<10128x128xf32, #tpu.memory_space<vmem_shared>>
        tpu.wait_indirect_dma semaphore(%run_scoped3A : memref<!tpu.dma_semaphore, #tpu.memory_space<semaphore_mem>>) src(%arg13 : memref<128x128xf32, #tpu.memory_space<vmem>>) dst(%dma_wait3A_97 : memref<10128x128xf32, #tpu.memory_space<vmem_shared>>)
        tpu.yield
      }) : () -> ()
      %add3A_85 = arith.constant 2 : i32
      %add3A_86 = arith.addi %add3A_67, %add3A_85 : i32
      %lt3A_87 = arith.constant 80 : i32
      %lt3A_88 = arith.cmpi slt, %add3A_86, %lt3A_87 : i32
      %convert_element_type3A_89 = arith.extui %lt3A_88 : i1 to i32
      %cond3A_90 = arith.constant 0 : i32
      %cond3A_91 = arith.cmpi ne, %convert_element_type3A_89, %cond3A_90 : i32
      scf.if %cond3A_91 {
        %dma_wait3A_92 = arith.constant 0 : i32
        %dma_wait3A_93 = tpu.memref_slice %arg3[%dma_wait3A_92] : memref<327680xi32, #tpu.memory_space<hbm>> -> memref<128xi32, #tpu.memory_space<hbm>>
        %dma_wait3A_94 = arith.constant 0 : i32
        %dma_wait3A_95 = tpu.memref_slice %arg3[%dma_wait3A_94] : memref<327680xi32, #tpu.memory_space<hbm>> -> memref<128xi32, #tpu.memory_space<hbm>>
        tpu.wait_dma2 semaphore(%arg20 : memref<!tpu.dma_semaphore, #tpu.memory_space<semaphore_mem>>) src(%dma_wait3A_95 : memref<128xi32, #tpu.memory_space<hbm>>) dst(%arg10 : memref<128xi32, #tpu.memory_space<vmem>>)
        %dma_start3A_96 = arith.constant 0 : i32
        %dma_start3A_97 = arith.constant 0 : i32
        %dma_start3A_98 = tpu.memref_slice %arg2[%dma_start3A_96, %dma_start3A_97] : memref<10000x128xf32, #tpu.memory_space<hbm>> -> memref<10000x128xf32, #tpu.memory_space<hbm>>
        tpu.enqueue_indirect_dma source(%dma_start3A_98 : memref<10000x128xf32, #tpu.memory_space<hbm>>) target(%arg13 : memref<128x128xf32, #tpu.memory_space<vmem>>) offsets(%arg10 : memref<128xi32, #tpu.memory_space<vmem>>) semaphore(%arg16 : memref<!tpu.dma_semaphore, #tpu.memory_space<semaphore_mem>>)
        %add3A_99 = arith.constant 2 : i32
        %add3A_100 = arith.addi %add3A_67, %add3A_99 : i32
        %mul3A_101 = arith.constant 128 : i32
        %mul3A_102 = arith.muli %add3A_100, %mul3A_101 : i32
        %add3A_103 = arith.addi %mul3A_8, %mul3A_102 : i32
        %dma_start3A_104 = tpu.memref_slice %arg4[%add3A_103] : memref<327680xi32, #tpu.memory_space<hbm>> -> memref<128xi32, #tpu.memory_space<hbm>>
        %dma_start3A_105 = tpu.memref_slice %arg4[%add3A_103] : memref<327680xi32, #tpu.memory_space<hbm>> -> memref<128xi32, #tpu.memory_space<hbm>>
        tpu.enqueue_dma source(%dma_start3A_105 : memref<128xi32, #tpu.memory_space<hbm>>) target(%arg11 : memref<128xi32, #tpu.memory_space<vmem>>) target_semaphore(%arg18 : memref<!tpu.dma_semaphore, #tpu.memory_space<semaphore_mem>>)
      } else {
      }
    }
    %scan3A_30 = arith.constant 40 : i32
    %barrier3A_31 = arith.constant 0 : index
    tpu.barrier barrier_id(%barrier3A_31)
    "tpu.region"() ({
      %run_scoped3A = tpu.sem_alloc : memref<!tpu.dma_semaphore, #tpu.memory_space<semaphore_mem>>
      %dma_start3A_37 = arith.constant 0 : i32
      %dma_start3A_38 = tpu.memref_slice %arg7[%arg0, %mul3A_2, %dma_start3A_37] : memref<2x10000x128xf32, #tpu.memory_space<hbm>> -> memref<1x624x128xf32, #tpu.memory_space<hbm>>
      %dma_start3A_39 = tpu.memref_squeeze %dma_start3A_38 : memref<1x624x128xf32, #tpu.memory_space<hbm>> -> memref<624x128xf32, #tpu.memory_space<hbm>>
      %dma_start3A_40 = arith.constant 0 : i32
      %dma_start3A_41 = tpu.memref_slice %arg14[%mul3A_2, %dma_start3A_40] : memref<10128x128xf32, #tpu.memory_space<vmem_shared>> -> memref<624x128xf32, #tpu.memory_space<vmem_shared>>
      tpu.enqueue_dma source(%dma_start3A_41 : memref<624x128xf32, #tpu.memory_space<vmem_shared>>) target(%dma_start3A_39 : memref<624x128xf32, #tpu.memory_space<hbm>>) target_semaphore(%run_scoped3A : memref<!tpu.dma_semaphore, #tpu.memory_space<semaphore_mem>>)
      %dma_wait3A = arith.constant 0 : i32
      %dma_wait3A_42 = tpu.memref_slice %arg7[%arg0, %mul3A_2, %dma_wait3A] : memref<2x10000x128xf32, #tpu.memory_space<hbm>> -> memref<1x624x128xf32, #tpu.memory_space<hbm>>
      %dma_wait3A_43 = tpu.memref_squeeze %dma_wait3A_42 : memref<1x624x128xf32, #tpu.memory_space<hbm>> -> memref<624x128xf32, #tpu.memory_space<hbm>>
      %dma_wait3A_44 = arith.constant 0 : i32
      %dma_wait3A_45 = tpu.memref_slice %arg14[%mul3A_2, %dma_wait3A_44] : memref<10128x128xf32, #tpu.memory_space<vmem_shared>> -> memref<624x128xf32, #tpu.memory_space<vmem_shared>>
      tpu.wait_dma2 semaphore(%run_scoped3A : memref<!tpu.dma_semaphore, #tpu.memory_space<semaphore_mem>>) src(%dma_wait3A_45 : memref<624x128xf32, #tpu.memory_space<vmem_shared>>) dst(%dma_wait3A_43 : memref<624x128xf32, #tpu.memory_space<hbm>>)
      tpu.yield
    }) : () -> ()
    %eq3A_32 = arith.constant 0 : i32
    %eq3A_33 = arith.cmpi eq, %arg1, %eq3A_32 : i32
    %convert_element_type3A_34 = arith.extui %eq3A_33 : i1 to i32
    %cond3A_35 = arith.constant 0 : i32
    %cond3A_36 = arith.cmpi ne, %convert_element_type3A_34, %cond3A_35 : i32
    scf.if %cond3A_36 {
      "tpu.region"() ({
        %run_scoped3A = tpu.sem_alloc : memref<!tpu.dma_semaphore, #tpu.memory_space<semaphore_mem>>
        %dma_start3A_37 = arith.constant 9984 : i32
        %dma_start3A_38 = arith.constant 0 : i32
        %dma_start3A_39 = tpu.memref_slice %arg7[%arg0, %dma_start3A_37, %dma_start3A_38] : memref<2x10000x128xf32, #tpu.memory_space<hbm>> -> memref<1x16x128xf32, #tpu.memory_space<hbm>>
        %dma_start3A_40 = tpu.memref_squeeze %dma_start3A_39 : memref<1x16x128xf32, #tpu.memory_space<hbm>> -> memref<16x128xf32, #tpu.memory_space<hbm>>
        %dma_start3A_41 = arith.constant 9984 : i32
        %dma_start3A_42 = arith.constant 0 : i32
        %dma_start3A_43 = tpu.memref_slice %arg14[%dma_start3A_41, %dma_start3A_42] : memref<10128x128xf32, #tpu.memory_space<vmem_shared>> -> memref<16x128xf32, #tpu.memory_space<vmem_shared>>
        tpu.enqueue_dma source(%dma_start3A_43 : memref<16x128xf32, #tpu.memory_space<vmem_shared>>) target(%dma_start3A_40 : memref<16x128xf32, #tpu.memory_space<hbm>>) target_semaphore(%run_scoped3A : memref<!tpu.dma_semaphore, #tpu.memory_space<semaphore_mem>>)
        %dma_wait3A = arith.constant 9984 : i32
        %dma_wait3A_44 = arith.constant 0 : i32
        %dma_wait3A_45 = tpu.memref_slice %arg7[%arg0, %dma_wait3A, %dma_wait3A_44] : memref<2x10000x128xf32, #tpu.memory_space<hbm>> -> memref<1x16x128xf32, #tpu.memory_space<hbm>>
        %dma_wait3A_46 = tpu.memref_squeeze %dma_wait3A_45 : memref<1x16x128xf32, #tpu.memory_space<hbm>> -> memref<16x128xf32, #tpu.memory_space<hbm>>
        %dma_wait3A_47 = arith.constant 9984 : i32
        %dma_wait3A_48 = arith.constant 0 : i32
        %dma_wait3A_49 = tpu.memref_slice %arg14[%dma_wait3A_47, %dma_wait3A_48] : memref<10128x128xf32, #tpu.memory_space<vmem_shared>> -> memref<16x128xf32, #tpu.memory_space<vmem_shared>>
        tpu.wait_dma2 semaphore(%run_scoped3A : memref<!tpu.dma_semaphore, #tpu.memory_space<semaphore_mem>>) src(%dma_wait3A_49 : memref<16x128xf32, #tpu.memory_space<vmem_shared>>) dst(%dma_wait3A_46 : memref<16x128xf32, #tpu.memory_space<hbm>>)
        tpu.yield
      }) : () -> ()
    } else {
    }
    return
  }
}

module attributes {stable_mosaic.version = 14 : i64} {
  func.func @_encode_body(%arg0: i32, %arg1: memref<1000x128xf32, #tpu.memory_space<vmem>>, %arg2: memref<1000x128xf32, #tpu.memory_space<vmem>>, %arg3: memref<1000x128xf32, #tpu.memory_space<vmem>>, %arg4: memref<1000x1xf32, #tpu.memory_space<vmem>>, %arg5: memref<1000x1xf32, #tpu.memory_space<vmem>>, %arg6: memref<128x128xf32, #tpu.memory_space<vmem>>, %arg7: memref<128x128xf32, #tpu.memory_space<vmem>>, %arg8: memref<1x128xf32, #tpu.memory_space<vmem>>, %arg9: memref<1000x128xf32, #tpu.memory_space<vmem>>) attributes {dimension_semantics = [#tpu.dimension_semantics<arbitrary>], iteration_bounds = array<i64: 10>, scalar_prefetch = 0 : i64, scratch_operands = 0 : i64, tpu.core_type = #tpu.core_type<tc>, window_params = [{transform_indices = @transform_0, window_bounds = array<i64: 1000, 128>}, {transform_indices = @transform_1, window_bounds = array<i64: 1000, 128>}, {transform_indices = @transform_2, window_bounds = array<i64: 1000, 128>}, {transform_indices = @transform_3, window_bounds = array<i64: 1000, 1>}, {transform_indices = @transform_4, window_bounds = array<i64: 1000, 1>}, {pipeline_mode = #tpu.pipeline_mode<synchronous>, transform_indices = @transform_5, window_bounds = array<i64: 128, 128>}, {pipeline_mode = #tpu.pipeline_mode<synchronous>, transform_indices = @transform_6, window_bounds = array<i64: 128, 128>}, {pipeline_mode = #tpu.pipeline_mode<synchronous>, transform_indices = @transform_7, window_bounds = array<i64: 1, 128>}, {transform_indices = @transform_8, window_bounds = array<i64: 1000, 128>}]} {
    %get3A = arith.constant 0 : index
    %get3A_0 = arith.constant 0 : index
    %get3A_1 = vector.load %arg4[%get3A, %get3A_0] : memref<1000x1xf32, #tpu.memory_space<vmem>>, vector<1000x1xf32>
    %get3A_2 = arith.constant 0 : index
    %get3A_3 = arith.constant 0 : index
    %get3A_4 = vector.load %arg5[%get3A_2, %get3A_3] : memref<1000x1xf32, #tpu.memory_space<vmem>>, vector<1000x1xf32>
    %add3A = arith.addf %get3A_1, %get3A_4 : vector<1000x1xf32>
    %get3A_5 = arith.constant 0 : index
    %get3A_6 = arith.constant 0 : index
    %get3A_7 = vector.load %arg2[%get3A_5, %get3A_6] : memref<1000x128xf32, #tpu.memory_space<vmem>>, vector<1000x128xf32>
    %get3A_8 = arith.constant 0 : index
    %get3A_9 = arith.constant 0 : index
    %get3A_10 = vector.load %arg3[%get3A_8, %get3A_9] : memref<1000x128xf32, #tpu.memory_space<vmem>>, vector<1000x128xf32>
    %add3A_11 = arith.addf %get3A_7, %get3A_10 : vector<1000x128xf32>
    %get3A_12 = arith.constant 0 : index
    %get3A_13 = arith.constant 0 : index
    %get3A_14 = vector.load %arg1[%get3A_12, %get3A_13] : memref<1000x128xf32, #tpu.memory_space<vmem>>, vector<1000x128xf32>
    %get3A_15 = arith.constant 0 : index
    %get3A_16 = arith.constant 0 : index
    %get3A_17 = vector.load %arg6[%get3A_15, %get3A_16] : memref<128x128xf32, #tpu.memory_space<vmem>>, vector<128x128xf32>
    %dot_general3A = arith.constant dense<0.000000e+00> : vector<1000x128xf32>
    %dot_general3A_18 = tpu.matmul %get3A_14, %get3A_17, %dot_general3A {dimension_numbers = #tpu.dot_dimension_numbers<[1], [0], [0], [1], [0, 0, 1, 1], [], []>, transpose_lhs_hint = false} : vector<1000x128xf32>, vector<128x128xf32>, vector<1000x128xf32> -> vector<1000x128xf32>
    %get3A_19 = arith.constant 0 : index
    %get3A_20 = arith.constant 0 : index
    %get3A_21 = vector.load %arg8[%get3A_19, %get3A_20] : memref<1x128xf32, #tpu.memory_space<vmem>>, vector<1x128xf32>
    %add3A_22 = vector.broadcast %get3A_21 : vector<1x128xf32> to vector<1000x128xf32>
    %add3A_23 = arith.addf %dot_general3A_18, %add3A_22 : vector<1000x128xf32>
    %mul3A = vector.broadcast %add3A : vector<1000x1xf32> to vector<1000x128xf32>
    %mul3A_24 = arith.mulf %mul3A, %add3A_23 : vector<1000x128xf32>
    %get3A_25 = arith.constant 0 : index
    %get3A_26 = arith.constant 0 : index
    %get3A_27 = vector.load %arg7[%get3A_25, %get3A_26] : memref<128x128xf32, #tpu.memory_space<vmem>>, vector<128x128xf32>
    %dot_general3A_28 = arith.constant dense<0.000000e+00> : vector<1000x128xf32>
    %dot_general3A_29 = tpu.matmul %add3A_11, %get3A_27, %dot_general3A_28 {dimension_numbers = #tpu.dot_dimension_numbers<[1], [0], [0], [1], [0, 0, 1, 1], [], []>, transpose_lhs_hint = false} : vector<1000x128xf32>, vector<128x128xf32>, vector<1000x128xf32> -> vector<1000x128xf32>
    %add3A_30 = arith.addf %mul3A_24, %dot_general3A_29 : vector<1000x128xf32>
    %gt3A = arith.constant 0.000000e+00 : f32
    %gt3A_31 = vector.broadcast %gt3A : f32 to vector<1000x128xf32>
    %gt3A_32 = arith.cmpf ogt, %add3A_30, %gt3A_31 : vector<1000x128xf32>
    %mul3A_33 = arith.constant 2.000000e-01 : f32
    %mul3A_34 = vector.broadcast %mul3A_33 : f32 to vector<1000x128xf32>
    %mul3A_35 = arith.mulf %mul3A_34, %add3A_30 : vector<1000x128xf32>
    %select_n3A = arith.select %gt3A_32, %add3A_30, %mul3A_35 : vector<1000x128xi1>, vector<1000x128xf32>
    %swap3A = arith.constant 0 : index
    %swap3A_36 = arith.constant 0 : index
    %swap3A_37 = vector.load %arg9[%swap3A, %swap3A_36] : memref<1000x128xf32, #tpu.memory_space<vmem>>, vector<1000x128xf32>
    tpu.vector_store %arg9[%swap3A, %swap3A_36], %select_n3A {strides = array<i32>} : memref<1000x128xf32, #tpu.memory_space<vmem>>, vector<1000x128xf32>,
    return
  }
  func.func @transform_0(%arg0: i32) -> (i32, i32) {
    %c0_i32 = arith.constant 0 : i32
    %c0_i32_0 = arith.constant 0 : i32
    return %arg0, %c0_i32 : i32, i32
  }
  func.func @transform_1(%arg0: i32) -> (i32, i32) {
    %c0_i32 = arith.constant 0 : i32
    %c0_i32_0 = arith.constant 0 : i32
    return %arg0, %c0_i32 : i32, i32
  }
  func.func @transform_2(%arg0: i32) -> (i32, i32) {
    %c0_i32 = arith.constant 0 : i32
    %c0_i32_0 = arith.constant 0 : i32
    return %arg0, %c0_i32 : i32, i32
  }
  func.func @transform_3(%arg0: i32) -> (i32, i32) {
    %c0_i32 = arith.constant 0 : i32
    %c0_i32_0 = arith.constant 0 : i32
    return %arg0, %c0_i32 : i32, i32
  }
  func.func @transform_4(%arg0: i32) -> (i32, i32) {
    %c0_i32 = arith.constant 0 : i32
    %c0_i32_0 = arith.constant 0 : i32
    return %arg0, %c0_i32 : i32, i32
  }
  func.func @transform_5(%arg0: i32) -> (i32, i32) {
    %c0_i32 = arith.constant 0 : i32
    %c0_i32_0 = arith.constant 0 : i32
    %c0_i32_1 = arith.constant 0 : i32
    return %c0_i32, %c0_i32_0 : i32, i32
  }
  func.func @transform_6(%arg0: i32) -> (i32, i32) {
    %c0_i32 = arith.constant 0 : i32
    %c0_i32_0 = arith.constant 0 : i32
    %c0_i32_1 = arith.constant 0 : i32
    return %c0_i32, %c0_i32_0 : i32, i32
  }
  func.func @transform_7(%arg0: i32) -> (i32, i32) {
    %c0_i32 = arith.constant 0 : i32
    %c0_i32_0 = arith.constant 0 : i32
    %c0_i32_1 = arith.constant 0 : i32
    return %c0_i32, %c0_i32_0 : i32, i32
  }
  func.func @transform_8(%arg0: i32) -> (i32, i32) {
    %c0_i32 = arith.constant 0 : i32
    %c0_i32_0 = arith.constant 0 : i32
    return %arg0, %c0_i32 : i32, i32
  }
}

module attributes {stable_mosaic.version = 14 : i64} {
  func.func @_stage2_body(%arg0: i32, %arg1: memref<1000x128xf32, #tpu.memory_space<vmem>>, %arg2: memref<1000x128xf32, #tpu.memory_space<vmem>>, %arg3: memref<1000x128xf32, #tpu.memory_space<vmem>>, %arg4: memref<1000x1xf32, #tpu.memory_space<vmem>>, %arg5: memref<1000x1xf32, #tpu.memory_space<vmem>>, %arg6: memref<1000x4x128xf32, #tpu.memory_space<vmem>>, %arg7: memref<4x128x128xf32, #tpu.memory_space<vmem>>, %arg8: memref<4x128x128xf32, #tpu.memory_space<vmem>>, %arg9: memref<4x1x128xf32, #tpu.memory_space<vmem>>, %arg10: memref<4x128x128xf32, #tpu.memory_space<vmem>>, %arg11: memref<4x128x128xf32, #tpu.memory_space<vmem>>, %arg12: memref<4x1x128xf32, #tpu.memory_space<vmem>>, %arg13: memref<128x128xf32, #tpu.memory_space<vmem>>, %arg14: memref<1x128xf32, #tpu.memory_space<vmem>>, %arg15: memref<1000x4x128xf32, #tpu.memory_space<vmem>>) attributes {dimension_semantics = [#tpu.dimension_semantics<arbitrary>], iteration_bounds = array<i64: 10>, scalar_prefetch = 0 : i64, scratch_operands = 0 : i64, tpu.core_type = #tpu.core_type<tc>, window_params = [{transform_indices = @transform_0, window_bounds = array<i64: 1000, 128>}, {transform_indices = @transform_1, window_bounds = array<i64: 1000, 128>}, {transform_indices = @transform_2, window_bounds = array<i64: 1000, 128>}, {transform_indices = @transform_3, window_bounds = array<i64: 1000, 1>}, {transform_indices = @transform_4, window_bounds = array<i64: 1000, 1>}, {transform_indices = @transform_5, window_bounds = array<i64: 1000, 4, 128>}, {pipeline_mode = #tpu.pipeline_mode<synchronous>, transform_indices = @transform_6, window_bounds = array<i64: 4, 128, 128>}, {pipeline_mode = #tpu.pipeline_mode<synchronous>, transform_indices = @transform_7, window_bounds = array<i64: 4, 128, 128>}, {pipeline_mode = #tpu.pipeline_mode<synchronous>, transform_indices = @transform_8, window_bounds = array<i64: 4, 1, 128>}, {pipeline_mode = #tpu.pipeline_mode<synchronous>, transform_indices = @transform_9, window_bounds = array<i64: 4, 128, 128>}, {pipeline_mode = #tpu.pipeline_mode<synchronous>, transform_indices = @transform_10, window_bounds = array<i64: 4, 128, 128>}, {pipeline_mode = #tpu.pipeline_mode<synchronous>, transform_indices = @transform_11, window_bounds = array<i64: 4, 1, 128>}, {pipeline_mode = #tpu.pipeline_mode<synchronous>, transform_indices = @transform_12, window_bounds = array<i64: 128, 128>}, {pipeline_mode = #tpu.pipeline_mode<synchronous>, transform_indices = @transform_13, window_bounds = array<i64: 1, 128>}, {transform_indices = @transform_14, window_bounds = array<i64: 1000, 4, 128>}]} {
    %get3A = arith.constant 0 : index
    %get3A_0 = arith.constant 0 : index
    %get3A_1 = vector.load %arg4[%get3A, %get3A_0] : memref<1000x1xf32, #tpu.memory_space<vmem>>, vector<1000x1xf32>
    %get3A_2 = arith.constant 0 : index
    %get3A_3 = arith.constant 0 : index
    %get3A_4 = vector.load %arg5[%get3A_2, %get3A_3] : memref<1000x1xf32, #tpu.memory_space<vmem>>, vector<1000x1xf32>
    %add3A = arith.addf %get3A_1, %get3A_4 : vector<1000x1xf32>
    %get3A_5 = arith.constant 0 : index
    %get3A_6 = arith.constant 0 : index
    %get3A_7 = vector.load %arg2[%get3A_5, %get3A_6] : memref<1000x128xf32, #tpu.memory_space<vmem>>, vector<1000x128xf32>
    %get3A_8 = arith.constant 0 : index
    %get3A_9 = arith.constant 0 : index
    %get3A_10 = vector.load %arg3[%get3A_8, %get3A_9] : memref<1000x128xf32, #tpu.memory_space<vmem>>, vector<1000x128xf32>
    %add3A_11 = arith.addf %get3A_7, %get3A_10 : vector<1000x128xf32>
    %get3A_12 = arith.constant 0 : index
    %get3A_13 = arith.constant 0 : index
    %get3A_14 = vector.load %arg1[%get3A_12, %get3A_13] : memref<1000x128xf32, #tpu.memory_space<vmem>>, vector<1000x128xf32>
    %get3A_15 = arith.constant 0 : index
    %get3A_16 = arith.constant 0 : index
    %get3A_17 = arith.constant 0 : index
    %get3A_18 = vector.load %arg7[%get3A_15, %get3A_16, %get3A_17] : memref<4x128x128xf32, #tpu.memory_space<vmem>>, vector<1x128x128xf32>
    %get3A_19 = vector.shape_cast %get3A_18 : vector<1x128x128xf32> to vector<128x128xf32>
    %dot_general3A = arith.constant dense<0.000000e+00> : vector<1000x128xf32>
    %dot_general3A_20 = tpu.matmul %get3A_14, %get3A_19, %dot_general3A {dimension_numbers = #tpu.dot_dimension_numbers<[1], [0], [0], [1], [0, 0, 1, 1], [], []>, transpose_lhs_hint = false} : vector<1000x128xf32>, vector<128x128xf32>, vector<1000x128xf32> -> vector<1000x128xf32>
    %get3A_21 = arith.constant 0 : index
    %get3A_22 = arith.constant 0 : index
    %get3A_23 = arith.constant 0 : index
    %get3A_24 = vector.load %arg9[%get3A_21, %get3A_22, %get3A_23] : memref<4x1x128xf32, #tpu.memory_space<vmem>>, vector<1x1x128xf32>
    %get3A_25 = vector.shape_cast %get3A_24 : vector<1x1x128xf32> to vector<1x128xf32>
    %add3A_26 = vector.broadcast %get3A_25 : vector<1x128xf32> to vector<1000x128xf32>
    %add3A_27 = arith.addf %dot_general3A_20, %add3A_26 : vector<1000x128xf32>
    %mul3A = vector.broadcast %add3A : vector<1000x1xf32> to vector<1000x128xf32>
    %mul3A_28 = arith.mulf %mul3A, %add3A_27 : vector<1000x128xf32>
    %get3A_29 = arith.constant 0 : index
    %get3A_30 = arith.constant 0 : index
    %get3A_31 = arith.constant 0 : index
    %get3A_32 = vector.load %arg8[%get3A_29, %get3A_30, %get3A_31] : memref<4x128x128xf32, #tpu.memory_space<vmem>>, vector<1x128x128xf32>
    %get3A_33 = vector.shape_cast %get3A_32 : vector<1x128x128xf32> to vector<128x128xf32>
    %dot_general3A_34 = arith.constant dense<0.000000e+00> : vector<1000x128xf32>
    %dot_general3A_35 = tpu.matmul %add3A_11, %get3A_33, %dot_general3A_34 {dimension_numbers = #tpu.dot_dimension_numbers<[1], [0], [0], [1], [0, 0, 1, 1], [], []>, transpose_lhs_hint = false} : vector<1000x128xf32>, vector<128x128xf32>, vector<1000x128xf32> -> vector<1000x128xf32>
    %add3A_36 = arith.addf %mul3A_28, %dot_general3A_35 : vector<1000x128xf32>
    %get3A_37 = arith.constant 0 : index
    %get3A_38 = arith.constant 0 : index
    %get3A_39 = arith.constant 0 : index
    %get3A_40 = vector.load %arg10[%get3A_37, %get3A_38, %get3A_39] : memref<4x128x128xf32, #tpu.memory_space<vmem>>, vector<1x128x128xf32>
    %get3A_41 = vector.shape_cast %get3A_40 : vector<1x128x128xf32> to vector<128x128xf32>
    %dot_general3A_42 = arith.constant dense<0.000000e+00> : vector<1000x128xf32>
    %dot_general3A_43 = tpu.matmul %get3A_14, %get3A_41, %dot_general3A_42 {dimension_numbers = #tpu.dot_dimension_numbers<[1], [0], [0], [1], [0, 0, 1, 1], [], []>, transpose_lhs_hint = false} : vector<1000x128xf32>, vector<128x128xf32>, vector<1000x128xf32> -> vector<1000x128xf32>
    %get3A_44 = arith.constant 0 : index
    %get3A_45 = arith.constant 0 : index
    %get3A_46 = arith.constant 0 : index
    %get3A_47 = vector.load %arg12[%get3A_44, %get3A_45, %get3A_46] : memref<4x1x128xf32, #tpu.memory_space<vmem>>, vector<1x1x128xf32>
    %get3A_48 = vector.shape_cast %get3A_47 : vector<1x1x128xf32> to vector<1x128xf32>
    %add3A_49 = vector.broadcast %get3A_48 : vector<1x128xf32> to vector<1000x128xf32>
    %add3A_50 = arith.addf %dot_general3A_43, %add3A_49 : vector<1000x128xf32>
    %mul3A_51 = vector.broadcast %add3A : vector<1000x1xf32> to vector<1000x128xf32>
    %mul3A_52 = arith.mulf %mul3A_51, %add3A_50 : vector<1000x128xf32>
    %get3A_53 = arith.constant 0 : index
    %get3A_54 = arith.constant 0 : index
    %get3A_55 = arith.constant 0 : index
    %get3A_56 = vector.load %arg11[%get3A_53, %get3A_54, %get3A_55] : memref<4x128x128xf32, #tpu.memory_space<vmem>>, vector<1x128x128xf32>
    %get3A_57 = vector.shape_cast %get3A_56 : vector<1x128x128xf32> to vector<128x128xf32>
    %dot_general3A_58 = arith.constant dense<0.000000e+00> : vector<1000x128xf32>
    %dot_general3A_59 = tpu.matmul %add3A_11, %get3A_57, %dot_general3A_58 {dimension_numbers = #tpu.dot_dimension_numbers<[1], [0], [0], [1], [0, 0, 1, 1], [], []>, transpose_lhs_hint = false} : vector<1000x128xf32>, vector<128x128xf32>, vector<1000x128xf32> -> vector<1000x128xf32>
    %add3A_60 = arith.addf %mul3A_52, %dot_general3A_59 : vector<1000x128xf32>
    %get3A_61 = arith.constant 0 : index
    %get3A_62 = arith.constant 0 : index
    %get3A_63 = arith.constant 0 : index
    %get3A_64 = vector.load %arg6[%get3A_61, %get3A_62, %get3A_63] : memref<1000x4x128xf32, #tpu.memory_space<vmem>>, vector<1000x1x128xf32>
    %get3A_65 = vector.shape_cast %get3A_64 : vector<1000x1x128xf32> to vector<1000x128xf32>
    %mul3A_66 = arith.constant 5.000000e-01 : f32
    %mul3A_67 = vector.broadcast %mul3A_66 : f32 to vector<1000x128xf32>
    %mul3A_68 = arith.mulf %mul3A_67, %add3A_60 : vector<1000x128xf32>
    %exp3A = math.exp %mul3A_68 : vector<1000x128xf32>
    %mul3A_69 = arith.mulf %get3A_65, %exp3A : vector<1000x128xf32>
    %add3A_70 = arith.addf %add3A_36, %mul3A_69 : vector<1000x128xf32>
    %get3A_71 = arith.constant 0 : index
    %get3A_72 = arith.constant 0 : index
    %get3A_73 = vector.load %arg13[%get3A_71, %get3A_72] : memref<128x128xf32, #tpu.memory_space<vmem>>, vector<128x128xf32>
    %dot_general3A_74 = arith.constant dense<0.000000e+00> : vector<1000x128xf32>
    %dot_general3A_75 = tpu.matmul %add3A_70, %get3A_73, %dot_general3A_74 {dimension_numbers = #tpu.dot_dimension_numbers<[1], [0], [0], [1], [0, 0, 1, 1], [], []>, transpose_lhs_hint = false} : vector<1000x128xf32>, vector<128x128xf32>, vector<1000x128xf32> -> vector<1000x128xf32>
    %get3A_76 = arith.constant 0 : index
    %get3A_77 = arith.constant 0 : index
    %get3A_78 = vector.load %arg14[%get3A_76, %get3A_77] : memref<1x128xf32, #tpu.memory_space<vmem>>, vector<1x128xf32>
    %add3A_79 = vector.broadcast %get3A_78 : vector<1x128xf32> to vector<1000x128xf32>
    %add3A_80 = arith.addf %dot_general3A_75, %add3A_79 : vector<1000x128xf32>
    %swap3A = arith.constant 0 : index
    %swap3A_81 = arith.constant 0 : index
    %swap3A_82 = arith.constant 0 : index
    %swap3A_83 = vector.load %arg15[%swap3A, %swap3A_81, %swap3A_82] : memref<1000x4x128xf32, #tpu.memory_space<vmem>>, vector<1000x1x128xf32>
    %swap3A_84 = vector.shape_cast %swap3A_83 : vector<1000x1x128xf32> to vector<1000x128xf32>
    %swap3A_85 = vector.shape_cast %add3A_80 : vector<1000x128xf32> to vector<1000x1x128xf32>
    tpu.vector_store %arg15[%swap3A, %swap3A_81, %swap3A_82], %swap3A_85 {strides = array<i32>} : memref<1000x4x128xf32, #tpu.memory_space<vmem>>, vector<1000x1x128xf32>,
    %get3A_86 = arith.constant 1 : index
    %get3A_87 = arith.constant 0 : index
    %get3A_88 = arith.constant 0 : index
    %get3A_89 = vector.load %arg7[%get3A_86, %get3A_87, %get3A_88] : memref<4x128x128xf32, #tpu.memory_space<vmem>>, vector<1x128x128xf32>
    %get3A_90 = vector.shape_cast %get3A_89 : vector<1x128x128xf32> to vector<128x128xf32>
    %dot_general3A_91 = arith.constant dense<0.000000e+00> : vector<1000x128xf32>
    %dot_general3A_92 = tpu.matmul %get3A_14, %get3A_90, %dot_general3A_91 {dimension_numbers = #tpu.dot_dimension_numbers<[1], [0], [0], [1], [0, 0, 1, 1], [], []>, transpose_lhs_hint = false} : vector<1000x128xf32>, vector<128x128xf32>, vector<1000x128xf32> -> vector<1000x128xf32>
    %get3A_93 = arith.constant 1 : index
    %get3A_94 = arith.constant 0 : index
    %get3A_95 = arith.constant 0 : index
    %get3A_96 = vector.load %arg9[%get3A_93, %get3A_94, %get3A_95] : memref<4x1x128xf32, #tpu.memory_space<vmem>>, vector<1x1x128xf32>
    %get3A_97 = vector.shape_cast %get3A_96 : vector<1x1x128xf32> to vector<1x128xf32>
    %add3A_98 = vector.broadcast %get3A_97 : vector<1x128xf32> to vector<1000x128xf32>
    %add3A_99 = arith.addf %dot_general3A_92, %add3A_98 : vector<1000x128xf32>
    %mul3A_100 = vector.broadcast %add3A : vector<1000x1xf32> to vector<1000x128xf32>
    %mul3A_101 = arith.mulf %mul3A_100, %add3A_99 : vector<1000x128xf32>
    %get3A_102 = arith.constant 1 : index
    %get3A_103 = arith.constant 0 : index
    %get3A_104 = arith.constant 0 : index
    %get3A_105 = vector.load %arg8[%get3A_102, %get3A_103, %get3A_104] : memref<4x128x128xf32, #tpu.memory_space<vmem>>, vector<1x128x128xf32>
    %get3A_106 = vector.shape_cast %get3A_105 : vector<1x128x128xf32> to vector<128x128xf32>
    %dot_general3A_107 = arith.constant dense<0.000000e+00> : vector<1000x128xf32>
    %dot_general3A_108 = tpu.matmul %add3A_11, %get3A_106, %dot_general3A_107 {dimension_numbers = #tpu.dot_dimension_numbers<[1], [0], [0], [1], [0, 0, 1, 1], [], []>, transpose_lhs_hint = false} : vector<1000x128xf32>, vector<128x128xf32>, vector<1000x128xf32> -> vector<1000x128xf32>
    %add3A_109 = arith.addf %mul3A_101, %dot_general3A_108 : vector<1000x128xf32>
    %get3A_110 = arith.constant 1 : index
    %get3A_111 = arith.constant 0 : index
    %get3A_112 = arith.constant 0 : index
    %get3A_113 = vector.load %arg10[%get3A_110, %get3A_111, %get3A_112] : memref<4x128x128xf32, #tpu.memory_space<vmem>>, vector<1x128x128xf32>
    %get3A_114 = vector.shape_cast %get3A_113 : vector<1x128x128xf32> to vector<128x128xf32>
    %dot_general3A_115 = arith.constant dense<0.000000e+00> : vector<1000x128xf32>
    %dot_general3A_116 = tpu.matmul %get3A_14, %get3A_114, %dot_general3A_115 {dimension_numbers = #tpu.dot_dimension_numbers<[1], [0], [0], [1], [0, 0, 1, 1], [], []>, transpose_lhs_hint = false} : vector<1000x128xf32>, vector<128x128xf32>, vector<1000x128xf32> -> vector<1000x128xf32>
    %get3A_117 = arith.constant 1 : index
    %get3A_118 = arith.constant 0 : index
    %get3A_119 = arith.constant 0 : index
    %get3A_120 = vector.load %arg12[%get3A_117, %get3A_118, %get3A_119] : memref<4x1x128xf32, #tpu.memory_space<vmem>>, vector<1x1x128xf32>
    %get3A_121 = vector.shape_cast %get3A_120 : vector<1x1x128xf32> to vector<1x128xf32>
    %add3A_122 = vector.broadcast %get3A_121 : vector<1x128xf32> to vector<1000x128xf32>
    %add3A_123 = arith.addf %dot_general3A_116, %add3A_122 : vector<1000x128xf32>
    %mul3A_124 = vector.broadcast %add3A : vector<1000x1xf32> to vector<1000x128xf32>
    %mul3A_125 = arith.mulf %mul3A_124, %add3A_123 : vector<1000x128xf32>
    %get3A_126 = arith.constant 1 : index
    %get3A_127 = arith.constant 0 : index
    %get3A_128 = arith.constant 0 : index
    %get3A_129 = vector.load %arg11[%get3A_126, %get3A_127, %get3A_128] : memref<4x128x128xf32, #tpu.memory_space<vmem>>, vector<1x128x128xf32>
    %get3A_130 = vector.shape_cast %get3A_129 : vector<1x128x128xf32> to vector<128x128xf32>
    %dot_general3A_131 = arith.constant dense<0.000000e+00> : vector<1000x128xf32>
    %dot_general3A_132 = tpu.matmul %add3A_11, %get3A_130, %dot_general3A_131 {dimension_numbers = #tpu.dot_dimension_numbers<[1], [0], [0], [1], [0, 0, 1, 1], [], []>, transpose_lhs_hint = false} : vector<1000x128xf32>, vector<128x128xf32>, vector<1000x128xf32> -> vector<1000x128xf32>
    %add3A_133 = arith.addf %mul3A_125, %dot_general3A_132 : vector<1000x128xf32>
    %get3A_134 = arith.constant 0 : index
    %get3A_135 = arith.constant 1 : index
    %get3A_136 = arith.constant 0 : index
    %get3A_137 = vector.load %arg6[%get3A_134, %get3A_135, %get3A_136] : memref<1000x4x128xf32, #tpu.memory_space<vmem>>, vector<1000x1x128xf32>
    %get3A_138 = vector.shape_cast %get3A_137 : vector<1000x1x128xf32> to vector<1000x128xf32>
    %mul3A_139 = arith.constant 5.000000e-01 : f32
    %mul3A_140 = vector.broadcast %mul3A_139 : f32 to vector<1000x128xf32>
    %mul3A_141 = arith.mulf %mul3A_140, %add3A_133 : vector<1000x128xf32>
    %exp3A_142 = math.exp %mul3A_141 : vector<1000x128xf32>
    %mul3A_143 = arith.mulf %get3A_138, %exp3A_142 : vector<1000x128xf32>
    %add3A_144 = arith.addf %add3A_109, %mul3A_143 : vector<1000x128xf32>
    %get3A_145 = arith.constant 0 : index
    %get3A_146 = arith.constant 0 : index
    %get3A_147 = vector.load %arg13[%get3A_145, %get3A_146] : memref<128x128xf32, #tpu.memory_space<vmem>>, vector<128x128xf32>
    %dot_general3A_148 = arith.constant dense<0.000000e+00> : vector<1000x128xf32>
    %dot_general3A_149 = tpu.matmul %add3A_144, %get3A_147, %dot_general3A_148 {dimension_numbers = #tpu.dot_dimension_numbers<[1], [0], [0], [1], [0, 0, 1, 1], [], []>, transpose_lhs_hint = false} : vector<1000x128xf32>, vector<128x128xf32>, vector<1000x128xf32> -> vector<1000x128xf32>
    %get3A_150 = arith.constant 0 : index
    %get3A_151 = arith.constant 0 : index
    %get3A_152 = vector.load %arg14[%get3A_150, %get3A_151] : memref<1x128xf32, #tpu.memory_space<vmem>>, vector<1x128xf32>
    %add3A_153 = vector.broadcast %get3A_152 : vector<1x128xf32> to vector<1000x128xf32>
    %add3A_154 = arith.addf %dot_general3A_149, %add3A_153 : vector<1000x128xf32>
    %swap3A_155 = arith.constant 0 : index
    %swap3A_156 = arith.constant 1 : index
    %swap3A_157 = arith.constant 0 : index
    %swap3A_158 = vector.load %arg15[%swap3A_155, %swap3A_156, %swap3A_157] : memref<1000x4x128xf32, #tpu.memory_space<vmem>>, vector<1000x1x128xf32>
    %swap3A_159 = vector.shape_cast %swap3A_158 : vector<1000x1x128xf32> to vector<1000x128xf32>
    %swap3A_160 = vector.shape_cast %add3A_154 : vector<1000x128xf32> to vector<1000x1x128xf32>
    tpu.vector_store %arg15[%swap3A_155, %swap3A_156, %swap3A_157], %swap3A_160 {strides = array<i32>} : memref<1000x4x128xf32, #tpu.memory_space<vmem>>, vector<1000x1x128xf32>,
    %get3A_161 = arith.constant 2 : index
    %get3A_162 = arith.constant 0 : index
    %get3A_163 = arith.constant 0 : index
    %get3A_164 = vector.load %arg7[%get3A_161, %get3A_162, %get3A_163] : memref<4x128x128xf32, #tpu.memory_space<vmem>>, vector<1x128x128xf32>
    %get3A_165 = vector.shape_cast %get3A_164 : vector<1x128x128xf32> to vector<128x128xf32>
    %dot_general3A_166 = arith.constant dense<0.000000e+00> : vector<1000x128xf32>
    %dot_general3A_167 = tpu.matmul %get3A_14, %get3A_165, %dot_general3A_166 {dimension_numbers = #tpu.dot_dimension_numbers<[1], [0], [0], [1], [0, 0, 1, 1], [], []>, transpose_lhs_hint = false} : vector<1000x128xf32>, vector<128x128xf32>, vector<1000x128xf32> -> vector<1000x128xf32>
    %get3A_168 = arith.constant 2 : index
    %get3A_169 = arith.constant 0 : index
    %get3A_170 = arith.constant 0 : index
    %get3A_171 = vector.load %arg9[%get3A_168, %get3A_169, %get3A_170] : memref<4x1x128xf32, #tpu.memory_space<vmem>>, vector<1x1x128xf32>
    %get3A_172 = vector.shape_cast %get3A_171 : vector<1x1x128xf32> to vector<1x128xf32>
    %add3A_173 = vector.broadcast %get3A_172 : vector<1x128xf32> to vector<1000x128xf32>
    %add3A_174 = arith.addf %dot_general3A_167, %add3A_173 : vector<1000x128xf32>
    %mul3A_175 = vector.broadcast %add3A : vector<1000x1xf32> to vector<1000x128xf32>
    %mul3A_176 = arith.mulf %mul3A_175, %add3A_174 : vector<1000x128xf32>
    %get3A_177 = arith.constant 2 : index
    %get3A_178 = arith.constant 0 : index
    %get3A_179 = arith.constant 0 : index
    %get3A_180 = vector.load %arg8[%get3A_177, %get3A_178, %get3A_179] : memref<4x128x128xf32, #tpu.memory_space<vmem>>, vector<1x128x128xf32>
    %get3A_181 = vector.shape_cast %get3A_180 : vector<1x128x128xf32> to vector<128x128xf32>
    %dot_general3A_182 = arith.constant dense<0.000000e+00> : vector<1000x128xf32>
    %dot_general3A_183 = tpu.matmul %add3A_11, %get3A_181, %dot_general3A_182 {dimension_numbers = #tpu.dot_dimension_numbers<[1], [0], [0], [1], [0, 0, 1, 1], [], []>, transpose_lhs_hint = false} : vector<1000x128xf32>, vector<128x128xf32>, vector<1000x128xf32> -> vector<1000x128xf32>
    %add3A_184 = arith.addf %mul3A_176, %dot_general3A_183 : vector<1000x128xf32>
    %get3A_185 = arith.constant 2 : index
    %get3A_186 = arith.constant 0 : index
    %get3A_187 = arith.constant 0 : index
    %get3A_188 = vector.load %arg10[%get3A_185, %get3A_186, %get3A_187] : memref<4x128x128xf32, #tpu.memory_space<vmem>>, vector<1x128x128xf32>
    %get3A_189 = vector.shape_cast %get3A_188 : vector<1x128x128xf32> to vector<128x128xf32>
    %dot_general3A_190 = arith.constant dense<0.000000e+00> : vector<1000x128xf32>
    %dot_general3A_191 = tpu.matmul %get3A_14, %get3A_189, %dot_general3A_190 {dimension_numbers = #tpu.dot_dimension_numbers<[1], [0], [0], [1], [0, 0, 1, 1], [], []>, transpose_lhs_hint = false} : vector<1000x128xf32>, vector<128x128xf32>, vector<1000x128xf32> -> vector<1000x128xf32>
    %get3A_192 = arith.constant 2 : index
    %get3A_193 = arith.constant 0 : index
    %get3A_194 = arith.constant 0 : index
    %get3A_195 = vector.load %arg12[%get3A_192, %get3A_193, %get3A_194] : memref<4x1x128xf32, #tpu.memory_space<vmem>>, vector<1x1x128xf32>
    %get3A_196 = vector.shape_cast %get3A_195 : vector<1x1x128xf32> to vector<1x128xf32>
    %add3A_197 = vector.broadcast %get3A_196 : vector<1x128xf32> to vector<1000x128xf32>
    %add3A_198 = arith.addf %dot_general3A_191, %add3A_197 : vector<1000x128xf32>
    %mul3A_199 = vector.broadcast %add3A : vector<1000x1xf32> to vector<1000x128xf32>
    %mul3A_200 = arith.mulf %mul3A_199, %add3A_198 : vector<1000x128xf32>
    %get3A_201 = arith.constant 2 : index
    %get3A_202 = arith.constant 0 : index
    %get3A_203 = arith.constant 0 : index
    %get3A_204 = vector.load %arg11[%get3A_201, %get3A_202, %get3A_203] : memref<4x128x128xf32, #tpu.memory_space<vmem>>, vector<1x128x128xf32>
    %get3A_205 = vector.shape_cast %get3A_204 : vector<1x128x128xf32> to vector<128x128xf32>
    %dot_general3A_206 = arith.constant dense<0.000000e+00> : vector<1000x128xf32>
    %dot_general3A_207 = tpu.matmul %add3A_11, %get3A_205, %dot_general3A_206 {dimension_numbers = #tpu.dot_dimension_numbers<[1], [0], [0], [1], [0, 0, 1, 1], [], []>, transpose_lhs_hint = false} : vector<1000x128xf32>, vector<128x128xf32>, vector<1000x128xf32> -> vector<1000x128xf32>
    %add3A_208 = arith.addf %mul3A_200, %dot_general3A_207 : vector<1000x128xf32>
    %get3A_209 = arith.constant 0 : index
    %get3A_210 = arith.constant 2 : index
    %get3A_211 = arith.constant 0 : index
    %get3A_212 = vector.load %arg6[%get3A_209, %get3A_210, %get3A_211] : memref<1000x4x128xf32, #tpu.memory_space<vmem>>, vector<1000x1x128xf32>
    %get3A_213 = vector.shape_cast %get3A_212 : vector<1000x1x128xf32> to vector<1000x128xf32>
    %mul3A_214 = arith.constant 5.000000e-01 : f32
    %mul3A_215 = vector.broadcast %mul3A_214 : f32 to vector<1000x128xf32>
    %mul3A_216 = arith.mulf %mul3A_215, %add3A_208 : vector<1000x128xf32>
    %exp3A_217 = math.exp %mul3A_216 : vector<1000x128xf32>
    %mul3A_218 = arith.mulf %get3A_213, %exp3A_217 : vector<1000x128xf32>
    %add3A_219 = arith.addf %add3A_184, %mul3A_218 : vector<1000x128xf32>
    %get3A_220 = arith.constant 0 : index
    %get3A_221 = arith.constant 0 : index
    %get3A_222 = vector.load %arg13[%get3A_220, %get3A_221] : memref<128x128xf32, #tpu.memory_space<vmem>>, vector<128x128xf32>
    %dot_general3A_223 = arith.constant dense<0.000000e+00> : vector<1000x128xf32>
    %dot_general3A_224 = tpu.matmul %add3A_219, %get3A_222, %dot_general3A_223 {dimension_numbers = #tpu.dot_dimension_numbers<[1], [0], [0], [1], [0, 0, 1, 1], [], []>, transpose_lhs_hint = false} : vector<1000x128xf32>, vector<128x128xf32>, vector<1000x128xf32> -> vector<1000x128xf32>
    %get3A_225 = arith.constant 0 : index
    %get3A_226 = arith.constant 0 : index
    %get3A_227 = vector.load %arg14[%get3A_225, %get3A_226] : memref<1x128xf32, #tpu.memory_space<vmem>>, vector<1x128xf32>
    %add3A_228 = vector.broadcast %get3A_227 : vector<1x128xf32> to vector<1000x128xf32>
    %add3A_229 = arith.addf %dot_general3A_224, %add3A_228 : vector<1000x128xf32>
    %swap3A_230 = arith.constant 0 : index
    %swap3A_231 = arith.constant 2 : index
    %swap3A_232 = arith.constant 0 : index
    %swap3A_233 = vector.load %arg15[%swap3A_230, %swap3A_231, %swap3A_232] : memref<1000x4x128xf32, #tpu.memory_space<vmem>>, vector<1000x1x128xf32>
    %swap3A_234 = vector.shape_cast %swap3A_233 : vector<1000x1x128xf32> to vector<1000x128xf32>
    %swap3A_235 = vector.shape_cast %add3A_229 : vector<1000x128xf32> to vector<1000x1x128xf32>
    tpu.vector_store %arg15[%swap3A_230, %swap3A_231, %swap3A_232], %swap3A_235 {strides = array<i32>} : memref<1000x4x128xf32, #tpu.memory_space<vmem>>, vector<1000x1x128xf32>,
    %get3A_236 = arith.constant 3 : index
    %get3A_237 = arith.constant 0 : index
    %get3A_238 = arith.constant 0 : index
    %get3A_239 = vector.load %arg7[%get3A_236, %get3A_237, %get3A_238] : memref<4x128x128xf32, #tpu.memory_space<vmem>>, vector<1x128x128xf32>
    %get3A_240 = vector.shape_cast %get3A_239 : vector<1x128x128xf32> to vector<128x128xf32>
    %dot_general3A_241 = arith.constant dense<0.000000e+00> : vector<1000x128xf32>
    %dot_general3A_242 = tpu.matmul %get3A_14, %get3A_240, %dot_general3A_241 {dimension_numbers = #tpu.dot_dimension_numbers<[1], [0], [0], [1], [0, 0, 1, 1], [], []>, transpose_lhs_hint = false} : vector<1000x128xf32>, vector<128x128xf32>, vector<1000x128xf32> -> vector<1000x128xf32>
    %get3A_243 = arith.constant 3 : index
    %get3A_244 = arith.constant 0 : index
    %get3A_245 = arith.constant 0 : index
    %get3A_246 = vector.load %arg9[%get3A_243, %get3A_244, %get3A_245] : memref<4x1x128xf32, #tpu.memory_space<vmem>>, vector<1x1x128xf32>
    %get3A_247 = vector.shape_cast %get3A_246 : vector<1x1x128xf32> to vector<1x128xf32>
    %add3A_248 = vector.broadcast %get3A_247 : vector<1x128xf32> to vector<1000x128xf32>
    %add3A_249 = arith.addf %dot_general3A_242, %add3A_248 : vector<1000x128xf32>
    %mul3A_250 = vector.broadcast %add3A : vector<1000x1xf32> to vector<1000x128xf32>
    %mul3A_251 = arith.mulf %mul3A_250, %add3A_249 : vector<1000x128xf32>
    %get3A_252 = arith.constant 3 : index
    %get3A_253 = arith.constant 0 : index
    %get3A_254 = arith.constant 0 : index
    %get3A_255 = vector.load %arg8[%get3A_252, %get3A_253, %get3A_254] : memref<4x128x128xf32, #tpu.memory_space<vmem>>, vector<1x128x128xf32>
    %get3A_256 = vector.shape_cast %get3A_255 : vector<1x128x128xf32> to vector<128x128xf32>
    %dot_general3A_257 = arith.constant dense<0.000000e+00> : vector<1000x128xf32>
    %dot_general3A_258 = tpu.matmul %add3A_11, %get3A_256, %dot_general3A_257 {dimension_numbers = #tpu.dot_dimension_numbers<[1], [0], [0], [1], [0, 0, 1, 1], [], []>, transpose_lhs_hint = false} : vector<1000x128xf32>, vector<128x128xf32>, vector<1000x128xf32> -> vector<1000x128xf32>
    %add3A_259 = arith.addf %mul3A_251, %dot_general3A_258 : vector<1000x128xf32>
    %get3A_260 = arith.constant 3 : index
    %get3A_261 = arith.constant 0 : index
    %get3A_262 = arith.constant 0 : index
    %get3A_263 = vector.load %arg10[%get3A_260, %get3A_261, %get3A_262] : memref<4x128x128xf32, #tpu.memory_space<vmem>>, vector<1x128x128xf32>
    %get3A_264 = vector.shape_cast %get3A_263 : vector<1x128x128xf32> to vector<128x128xf32>
    %dot_general3A_265 = arith.constant dense<0.000000e+00> : vector<1000x128xf32>
    %dot_general3A_266 = tpu.matmul %get3A_14, %get3A_264, %dot_general3A_265 {dimension_numbers = #tpu.dot_dimension_numbers<[1], [0], [0], [1], [0, 0, 1, 1], [], []>, transpose_lhs_hint = false} : vector<1000x128xf32>, vector<128x128xf32>, vector<1000x128xf32> -> vector<1000x128xf32>
    %get3A_267 = arith.constant 3 : index
    %get3A_268 = arith.constant 0 : index
    %get3A_269 = arith.constant 0 : index
    %get3A_270 = vector.load %arg12[%get3A_267, %get3A_268, %get3A_269] : memref<4x1x128xf32, #tpu.memory_space<vmem>>, vector<1x1x128xf32>
    %get3A_271 = vector.shape_cast %get3A_270 : vector<1x1x128xf32> to vector<1x128xf32>
    %add3A_272 = vector.broadcast %get3A_271 : vector<1x128xf32> to vector<1000x128xf32>
    %add3A_273 = arith.addf %dot_general3A_266, %add3A_272 : vector<1000x128xf32>
    %mul3A_274 = vector.broadcast %add3A : vector<1000x1xf32> to vector<1000x128xf32>
    %mul3A_275 = arith.mulf %mul3A_274, %add3A_273 : vector<1000x128xf32>
    %get3A_276 = arith.constant 3 : index
    %get3A_277 = arith.constant 0 : index
    %get3A_278 = arith.constant 0 : index
    %get3A_279 = vector.load %arg11[%get3A_276, %get3A_277, %get3A_278] : memref<4x128x128xf32, #tpu.memory_space<vmem>>, vector<1x128x128xf32>
    %get3A_280 = vector.shape_cast %get3A_279 : vector<1x128x128xf32> to vector<128x128xf32>
    %dot_general3A_281 = arith.constant dense<0.000000e+00> : vector<1000x128xf32>
    %dot_general3A_282 = tpu.matmul %add3A_11, %get3A_280, %dot_general3A_281 {dimension_numbers = #tpu.dot_dimension_numbers<[1], [0], [0], [1], [0, 0, 1, 1], [], []>, transpose_lhs_hint = false} : vector<1000x128xf32>, vector<128x128xf32>, vector<1000x128xf32> -> vector<1000x128xf32>
    %add3A_283 = arith.addf %mul3A_275, %dot_general3A_282 : vector<1000x128xf32>
    %get3A_284 = arith.constant 0 : index
    %get3A_285 = arith.constant 3 : index
    %get3A_286 = arith.constant 0 : index
    %get3A_287 = vector.load %arg6[%get3A_284, %get3A_285, %get3A_286] : memref<1000x4x128xf32, #tpu.memory_space<vmem>>, vector<1000x1x128xf32>
    %get3A_288 = vector.shape_cast %get3A_287 : vector<1000x1x128xf32> to vector<1000x128xf32>
    %mul3A_289 = arith.constant 5.000000e-01 : f32
    %mul3A_290 = vector.broadcast %mul3A_289 : f32 to vector<1000x128xf32>
    %mul3A_291 = arith.mulf %mul3A_290, %add3A_283 : vector<1000x128xf32>
    %exp3A_292 = math.exp %mul3A_291 : vector<1000x128xf32>
    %mul3A_293 = arith.mulf %get3A_288, %exp3A_292 : vector<1000x128xf32>
    %add3A_294 = arith.addf %add3A_259, %mul3A_293 : vector<1000x128xf32>
    %get3A_295 = arith.constant 0 : index
    %get3A_296 = arith.constant 0 : index
    %get3A_297 = vector.load %arg13[%get3A_295, %get3A_296] : memref<128x128xf32, #tpu.memory_space<vmem>>, vector<128x128xf32>
    %dot_general3A_298 = arith.constant dense<0.000000e+00> : vector<1000x128xf32>
    %dot_general3A_299 = tpu.matmul %add3A_294, %get3A_297, %dot_general3A_298 {dimension_numbers = #tpu.dot_dimension_numbers<[1], [0], [0], [1], [0, 0, 1, 1], [], []>, transpose_lhs_hint = false} : vector<1000x128xf32>, vector<128x128xf32>, vector<1000x128xf32> -> vector<1000x128xf32>
    %get3A_300 = arith.constant 0 : index
    %get3A_301 = arith.constant 0 : index
    %get3A_302 = vector.load %arg14[%get3A_300, %get3A_301] : memref<1x128xf32, #tpu.memory_space<vmem>>, vector<1x128xf32>
    %add3A_303 = vector.broadcast %get3A_302 : vector<1x128xf32> to vector<1000x128xf32>
    %add3A_304 = arith.addf %dot_general3A_299, %add3A_303 : vector<1000x128xf32>
    %swap3A_305 = arith.constant 0 : index
    %swap3A_306 = arith.constant 3 : index
    %swap3A_307 = arith.constant 0 : index
    %swap3A_308 = vector.load %arg15[%swap3A_305, %swap3A_306, %swap3A_307] : memref<1000x4x128xf32, #tpu.memory_space<vmem>>, vector<1000x1x128xf32>
    %swap3A_309 = vector.shape_cast %swap3A_308 : vector<1000x1x128xf32> to vector<1000x128xf32>
    %swap3A_310 = vector.shape_cast %add3A_304 : vector<1000x128xf32> to vector<1000x1x128xf32>
    tpu.vector_store %arg15[%swap3A_305, %swap3A_306, %swap3A_307], %swap3A_310 {strides = array<i32>} : memref<1000x4x128xf32, #tpu.memory_space<vmem>>, vector<1000x1x128xf32>,
    return
  }
  func.func @transform_0(%arg0: i32) -> (i32, i32) {
    %c0_i32 = arith.constant 0 : i32
    %c0_i32_0 = arith.constant 0 : i32
    return %arg0, %c0_i32 : i32, i32
  }
  func.func @transform_1(%arg0: i32) -> (i32, i32) {
    %c0_i32 = arith.constant 0 : i32
    %c0_i32_0 = arith.constant 0 : i32
    return %arg0, %c0_i32 : i32, i32
  }
  func.func @transform_2(%arg0: i32) -> (i32, i32) {
    %c0_i32 = arith.constant 0 : i32
    %c0_i32_0 = arith.constant 0 : i32
    return %arg0, %c0_i32 : i32, i32
  }
  func.func @transform_3(%arg0: i32) -> (i32, i32) {
    %c0_i32 = arith.constant 0 : i32
    %c0_i32_0 = arith.constant 0 : i32
    return %arg0, %c0_i32 : i32, i32
  }
  func.func @transform_4(%arg0: i32) -> (i32, i32) {
    %c0_i32 = arith.constant 0 : i32
    %c0_i32_0 = arith.constant 0 : i32
    return %arg0, %c0_i32 : i32, i32
  }
  func.func @transform_5(%arg0: i32) -> (i32, i32, i32) {
    %c0_i32 = arith.constant 0 : i32
    %c0_i32_0 = arith.constant 0 : i32
    %c0_i32_1 = arith.constant 0 : i32
    return %arg0, %c0_i32, %c0_i32_0 : i32, i32, i32
  }
  func.func @transform_6(%arg0: i32) -> (i32, i32, i32) {
    %c0_i32 = arith.constant 0 : i32
    %c0_i32_0 = arith.constant 0 : i32
    %c0_i32_1 = arith.constant 0 : i32
    %c0_i32_2 = arith.constant 0 : i32
    return %c0_i32, %c0_i32_0, %c0_i32_1 : i32, i32, i32
  }
  func.func @transform_7(%arg0: i32) -> (i32, i32, i32) {
    %c0_i32 = arith.constant 0 : i32
    %c0_i32_0 = arith.constant 0 : i32
    %c0_i32_1 = arith.constant 0 : i32
    %c0_i32_2 = arith.constant 0 : i32
    return %c0_i32, %c0_i32_0, %c0_i32_1 : i32, i32, i32
  }
  func.func @transform_8(%arg0: i32) -> (i32, i32, i32) {
    %c0_i32 = arith.constant 0 : i32
    %c0_i32_0 = arith.constant 0 : i32
    %c0_i32_1 = arith.constant 0 : i32
    %c0_i32_2 = arith.constant 0 : i32
    return %c0_i32, %c0_i32_0, %c0_i32_1 : i32, i32, i32
  }
  func.func @transform_9(%arg0: i32) -> (i32, i32, i32) {
    %c0_i32 = arith.constant 0 : i32
    %c0_i32_0 = arith.constant 0 : i32
    %c0_i32_1 = arith.constant 0 : i32
    %c0_i32_2 = arith.constant 0 : i32
    return %c0_i32, %c0_i32_0, %c0_i32_1 : i32, i32, i32
  }
  func.func @transform_10(%arg0: i32) -> (i32, i32, i32) {
    %c0_i32 = arith.constant 0 : i32
    %c0_i32_0 = arith.constant 0 : i32
    %c0_i32_1 = arith.constant 0 : i32
    %c0_i32_2 = arith.constant 0 : i32
    return %c0_i32, %c0_i32_0, %c0_i32_1 : i32, i32, i32
  }
  func.func @transform_11(%arg0: i32) -> (i32, i32, i32) {
    %c0_i32 = arith.constant 0 : i32
    %c0_i32_0 = arith.constant 0 : i32
    %c0_i32_1 = arith.constant 0 : i32
    %c0_i32_2 = arith.constant 0 : i32
    return %c0_i32, %c0_i32_0, %c0_i32_1 : i32, i32, i32
  }
  func.func @transform_12(%arg0: i32) -> (i32, i32) {
    %c0_i32 = arith.constant 0 : i32
    %c0_i32_0 = arith.constant 0 : i32
    %c0_i32_1 = arith.constant 0 : i32
    return %c0_i32, %c0_i32_0 : i32, i32
  }
  func.func @transform_13(%arg0: i32) -> (i32, i32) {
    %c0_i32 = arith.constant 0 : i32
    %c0_i32_0 = arith.constant 0 : i32
    %c0_i32_1 = arith.constant 0 : i32
    return %c0_i32, %c0_i32_0 : i32, i32
  }
  func.func @transform_14(%arg0: i32) -> (i32, i32, i32) {
    %c0_i32 = arith.constant 0 : i32
    %c0_i32_0 = arith.constant 0 : i32
    %c0_i32_1 = arith.constant 0 : i32
    return %arg0, %c0_i32, %c0_i32_0 : i32, i32, i32
  }
}

</mosaic_0001>

<sc_bundles>
// kernel: kernel.6.cloned.1.call-start
scs
__scs_entry_jumppad:
0x0: {  	(pc) =	sbr.rel $0x88, $3  }
0x1: {  	(tag) =	ssettag $0x0;
	lr =	simm.s32 $0x1  }
0x2: {  	[smem:$0x3F97] =	sst lr;
	_ =	strace $0xD0000000  }
0x3: {  	_ = 	snop  }
0x4: {  	_ = 	snop  }
0x5: {  	_ = 	snop  }
0x6: {  	_ = 	snop  }
0x7: {  	_ = 	snop  }
__scs_overlays_trampoline_lowered:
0x8: {  	[smem:$0x3FA6] =	sst s0  }
0x9: {  	[smem:$0x3FA7] =	sst s1  }
0xa: {  	[smem:$0x3FA8] =	sst s2  }
0xb: {  	[smem:$0x3FA9] =	sst s3  }
0xc: {  	[smem:$0x3FAA] =	sst s4  }
0xd: {  	[smem:$0x3FAB] =	sst s5  }
0xe: {  	[smem:$0x3FAC] =	sst s6  }
0xf: {  	[smem:$0x3FAD] =	sst s7  }
0x10: {  	[smem:$0x3FAE] =	sst s8  }
0x11: {  	[smem:$0x3FAF] =	sst s9;
	s0 =	simm.s32 @!p0 $0x0  }
0x12: {  	s1 =	sld [smem:$0x3F95];
	s0 =	simm.s32 @p0 $0x1  }
0x13: {  	[smem:$0x3FB0] =	sst s0;
	s0 =	simm.s32 @!p1 $0x0  }
0x14: {  	s2 =	sld [smem:$0x3F94];
	s0 =	simm.s32 @p1 $0x1  }
0x15: {  	[smem:$0x3FB1] =	sst s0;
	s0 =	simm.s32 @!p2 $0x0  }
0x16: {  	s3 =	sld [smem:$0x3FDB];
	s0 =	simm.s32 @p2 $0x1  }
0x17: {  	s4 =	simm.s32 $0x1BF5;
	[smem:$0x3FB3] =	sst s0  }
0x18: {  	s0 =	sld [smem:$0x3F96];
	_ =	swait.ge [sflag:s4], $0x0  }
0x19: {  	s7 =	sld [smem:$0x3F97]  }
0x1a: {  	s8 =	sadd.s32 $0xFFFFE003, lr  }
0x1b: {  	s9 =	sadd.s32 $0xFFFFFEF7, lr;
	s5 =	simm.s32 $0xFFFFFFFF;
	p2 =	slt.u32 s8, $0xFFFFF086  }
0x1c: {  	p1 =	slt.u32 s9, $0xF7A;
	s5 =	simm.s32 @!p2 $0x0  }
0x1d: {  	s5 =	simm.s32 @p1 $0x1;
	p0 =	seq.s32 s7, s2  }
0x1e: {  	s7 =	smul.u32 @!p0 $0xF7A, s2;
	p2 =	seq.s32 @!p0 s5, $0x0  }
0x1f: {  	s9 =	smul.u32 $0xF7A, s1;
	s8 =	simm.s32 @!p0 $0x1BF5;
	p2 =	por !p2, p0  }
0x20: {  	[sflag:s8] =	ssyncset.s32 @!p0 $0xFFFFF086;
	s6 =	sadd.s32 @!p0 s3, s7;
	s7 =	simm.s32 @!p0 $0x108  }
0x21: {  	s3 =	sadd.s32 s3, s9;
	s6 =	sadd.s32 @!p0 $0x88, s6;
	s7 =	simm.s32 @p2 $0x1082  }
0x22: {  	[simem:s7], [sflag:s8] =	dma.local @!p0 [hbm:s6], $0xF7A  }
0x23: {  	s9 =	sor.u32 $0xD0000000, s2;
	s6 =	simm.s32 $0x108;
	_ =	swait.ge @!p0 [sflag:s8], $0x0  }
0x24: {  	s3 =	sadd.s32 $0x88, s3;
	s6 =	simm.s32 @!p1 $0x1082;
	[sflag:s4] =	ssyncset.s32 $0xFFFFF086  }
0x25: {  	[simem:s6], [sflag:s4] =	dma.local [hbm:s3], $0xF7A  }
0x26: {  	[smem:$0x3F97] =	sst s1;
	(tag) =	ssettag s2;
	_ =	strace s9  }
0x27: {  	s1 =	sld [smem:$0x3FA7]  }
0x28: {  	s2 =	sld [smem:$0x3FA8]  }
0x29: {  	s4 =	sld [smem:$0x3FAA]  }
0x2a: {  	p0 =	seq.s32 s5, $0x0;
	s5 =	sld [smem:$0x3FAB]  }
0x2b: {  	s6 =	sld [smem:$0x3FAC]  }
0x2c: {  	s7 =	sld [smem:$0x3FAD]  }
0x2d: {  	s3 =	simm.s32 $0x108;
	s8 =	sld [smem:$0x3FAE]  }
0x2e: {  	s3 =	simm.s32 @!p0 $0x1082;
	s9 =	sld [smem:$0x3FAF]  }
0x2f: {  	lr =	sadd.s32 s0, s3;
	s0 =	sld [smem:$0x3FA6]  }
0x30: {  	s3 =	sld [smem:$0x3FA9]  }
0x31: {  	[smem:$0x3FB2] =	sst s10  }
0x32: {  	s10 =	sld [smem:$0x3FB0];
	_ =	sdelay $0x3  }
0x33: {  	p0 =	seq.s32 s10, $0x1;
	s10 =	sld [smem:$0x3FB2];
	_ =	sdelay $0x3  }
0x34: {  	[smem:$0x3FB2] =	sst s10  }
0x35: {  	s10 =	sld [smem:$0x3FB1];
	_ =	sdelay $0x3  }
0x36: {  	p1 =	seq.s32 s10, $0x1;
	s10 =	sld [smem:$0x3FB2];
	_ =	sdelay $0x3  }
0x37: {  	[smem:$0x3FB2] =	sst s10  }
0x38: {  	s10 =	sld [smem:$0x3FB3]  }
0x39: {  	_ = 	snop;
	(pc) =	sbr.ind lr, $3  }
0x3a: {  	_ = 	snop  }
0x3b: {  	_ = 	snop  }
0x3c: {  	p2 =	seq.s32 s10, $0x1;
	s10 =	sld [smem:$0x3FB2]  }
0x3d: {  	_ =	shalt  }
0x3e: {  	_ =	shalt  }
0x3f: {  	_ =	shalt  }
0x40: {  	_ =	shalt  }
0x41: {  	_ =	shalt  }
0x42: {  	_ =	shalt  }
0x43: {  	_ =	shalt  }
0x44: {  	_ =	shalt  }
0x45: {  	_ =	shalt  }
0x46: {  	_ =	shalt  }
0x47: {  	_ =	shalt  }
0x48: {  	_ =	shalt  }
0x49: {  	_ =	shalt  }
0x4a: {  	_ =	shalt  }
0x4b: {  	_ =	shalt  }
0x4c: {  	_ =	shalt  }
0x4d: {  	_ =	shalt  }
0x4e: {  	_ =	shalt  }
0x4f: {  	_ =	shalt  }
0x50: {  	_ =	shalt  }
0x51: {  	_ =	shalt  }
0x52: {  	_ =	shalt  }
0x53: {  	_ =	shalt  }
0x54: {  	_ =	shalt  }
0x55: {  	_ =	shalt  }
0x56: {  	_ =	shalt  }
0x57: {  	_ =	shalt  }
0x58: {  	_ =	shalt  }
0x59: {  	_ =	shalt  }
0x5a: {  	_ =	shalt  }
0x5b: {  	_ =	shalt  }
0x5c: {  	_ =	shalt  }
0x5d: {  	_ =	shalt  }
0x5e: {  	_ =	shalt  }
0x5f: {  	_ =	shalt  }
0x60: {  	_ =	shalt  }
0x61: {  	_ =	shalt  }
0x62: {  	_ =	shalt  }
0x63: {  	_ =	shalt  }
0x64: {  	_ =	shalt  }
0x65: {  	_ =	shalt  }
0x66: {  	_ =	shalt  }
0x67: {  	_ =	shalt  }
0x68: {  	_ =	shalt  }
0x69: {  	_ =	shalt  }
0x6a: {  	_ =	shalt  }
0x6b: {  	_ =	shalt  }
0x6c: {  	_ =	shalt  }
0x6d: {  	_ =	shalt  }
0x6e: {  	_ =	shalt  }
0x6f: {  	_ =	shalt  }
0x70: {  	_ =	shalt  }
0x71: {  	_ =	shalt  }
0x72: {  	_ =	shalt  }
0x73: {  	_ =	shalt  }
0x74: {  	_ =	shalt  }
0x75: {  	_ =	shalt  }
0x76: {  	_ =	shalt  }
0x77: {  	_ =	shalt  }
0x78: {  	_ =	shalt  }
0x79: {  	_ =	shalt  }
0x7a: {  	_ =	shalt  }
0x7b: {  	_ =	shalt  }
0x7c: {  	_ =	shalt  }
0x7d: {  	_ =	shalt  }
0x7e: {  	_ =	shalt  }
0x7f: {  	_ =	shalt  }
0x80: {  	_ =	shalt  }
0x81: {  	_ =	shalt  }
0x82: {  	_ =	shalt  }
0x83: {  	_ =	shalt  }
0x84: {  	_ =	shalt  }
0x85: {  	_ =	shalt  }
0x86: {  	_ =	shalt  }
0x87: {  	_ =	shalt  }
.Lfunc_end0:
.L_simem_size_0:
called_computation_lowered:
.L_overlay_start_0:
0x88: {  	s2 =	sld [smem:$0x3FD9]  }
0x89: {  	s3 =	sld [smem:$0x3FFE];
	_ =	sdelay $0x1  }
0x8a: {  	s1 =	srdreg.scid  }
0x8b: {  	s0 =	sand.u32 $0x1, s1  }
0x8c: {  	s17 =	sshll.u32 s0, $0xA;
	s2 =	sadd.s32 s3, s2  }
0x8d: {  	s2 =	sadd.s32 s2, s17  }
0x8e: {  	[smem:$0x3FBE] =	sst s2  }
0x8f: {  	_ = 	snop  }
0x90: {  	s2 =	sld [smem:$0x3FC9]  }
0x91: {  	s18 =	sld [smem:$0x3FD0];
	(tm) =	ssettm $0x1  }
0x92: {  	s4 =	sld [smem:$0x3FFB];
	_ =	sdelay $0x3  }
0x93: {  	_ =	strace s4  }
0x94: {  	s4 =	sld [smem:$0x3FFC];
	_ =	sdelay $0x3  }
0x95: {  	_ =	strace s4  }
0x96: {  	s4 =	sld [smem:$0x3FFD];
	_ =	sdelay $0x3  }
0x97: {  	_ =	strace s4  }
0x98: {  	_ =	strace $0x8FFFFFFF  }
0x99: {  	s19 =	sld [smem:$0x3FDB];
	_ =	sdelay $0x1  }
0x9a: {  	s5 =	simm.s32 $_scs_section_size  }
0x9b: {  	s6 =	simm.s32 $_size__tile_overlayer_lowered;
	s7 =	simm.s32 $_tile_overlayer_lowered  }
0x9c: {  	s22 =	simm.s32 $0x1BFF;
	s21 =	sshll.u32 s7, $0x1;
	s4 =	sadd.s32 s5, s19  }
0x9d: {  	s8 =	simm.s32 $0x0;
	s20 =	sshll.u32 s6, $0x1;
	s6 =	sadd.s32 s21, s4  }
0x9e: {  	[timem:s8], [sflag:s22] =	dma.local [hbm:s6], s20  }
0x9f: {  	_ =	swait.ge [sflag:s22], s20  }
0xa0: {  	s5 =	ssub.s32 $0x0, s20;
	[sflag:s22] =	ssyncset.done $0x0  }
0xa1: {  	[sflag:s22] =	ssyncadd.s32 s5;
	_ =	sdelay $0x1  }
0xa2: {  	s23 =	simm.s32 $0x1B8B  }
0xa3: {  	_ =	swait.ge [sflag:s23], $0x1  }
0xa4: {  	[sflag:s23] =	ssyncset.done $0x0  }
0xa5: {  	s25 =	simm.s32 $0x1B8E;
	s24 =	sld [smem:$0x3FFE];
	[sflag:s23] =	ssyncadd.s32 $0xFFFFFFFF  }
0xa6: {  	s26 =	simm.s32 $execute0_lowered;
	[smem:$0x3FD2] =	sst s25  }
0xa7: {  	s6 =	sshll.u32 s26, $0x1;
	_ =	strace $0x80000046;
	[dreg:$0x1] =	wrdreg $0xFFFFFFFF  }
0xa8: {  	s28 =	simm.s32 $_size_execute0_lowered;
	s4 =	sadd.s32 s4, s6;
	[dreg:$0x0] =	wrdreg $0x0  }
0xa9: {  	s6 =	sshll.u32 s28, $0x1;
	[dreg:$0x2] =	wrdreg s4  }
0xaa: {  	[dreg:$0x3] =	wrdreg s6  }
0xab: {  	[dreg:$0x4] =	wrdreg $0xC0  }
0xac: {  	_ =	task [dreg:s8], $0x5FFFF  }
0xad: {  	[dreg:$0x1] =	wrdreg $0xFFFFFFFF  }
0xae: {  	[dreg:$0x0] =	wrdreg $0x60  }
0xaf: {  	[dreg:$0x2] =	wrdreg s2  }
0xb0: {  	[dreg:$0x3] =	wrdreg s24  }
0xb1: {  	[dreg:$0x4] =	wrdreg s18  }
0xb2: {  	[dreg:$0x5] =	wrdreg $0x82000  }
0xb3: {  	[dreg:$0x6] =	wrdreg $0x1BF000  }
0xb4: {  	[dreg:$0x7] =	wrdreg $0x9  }
0xb5: {  	_ =	task.clear_ibuf [dreg:s8], $0x8FFFF;
	_ =	strace $0x90000046  }
0xb6: {  	s29 =	simm.s32 $0x9;
	_ =	strace $0x80000048  }
0xb7: {  	_ =	swait.ge [sflag:s29], $0x1  }
0xb8: {  	[sflag:s29] =	ssyncadd.s32 $0xFFFFFFFF  }
0xb9: {  	_ =	strace $0x90000048  }
0xba: {  	_ =	sfence  }
0xbb: {  	s30 =	sld [smem:$0x0];
	_ =	sdelay $0x2  }
0xbc: {  	s31 =	sshll.u32 s1, $0xD;
	s1 =	sshrl.u32 s1, $0x2  }
0xbd: {  	s3 =	sand.u32 $0x4000, s31;
	s1 =	sadd.s32 s1, s30  }
0xbe: {  	s0 =	sor.u32 s3, s0;
	s1 =	sshll.u32 s1, $0x11  }
0xbf: {  	s0 =	sor.u32 s1, s0  }
0xc0: {  	s0 =	sadd.s32 $0x8F2B, s0  }
0xc1: {  	[sflag:s0] =	ssyncadd.remote.s32 $0x1  }
0xc2: {  	_ =	sfence.sel $0xFFFF  }
0xc3: {  	[dreg:$0x0] =	wrdreg $0xFFFFFFFF;
	(pc) =	sbr.abs _section_cstart, $3  }
0xc4: {  	[dreg:$0x1] =	wrdreg $0xFFFFFFFF  }
0xc5: {  	_ =	task.clear_ibuf [dreg:s8], $0x2FFFF;
	_ =	strace $0x9FFFFFFF  }
0xc6: {  	(tm) =	ssettm $0x7FFFFFFF  }
0xc7: {  	_ =	shalt  }
tec
execute0_lowered:
.L_overlay_start_1:
0x0: {  	(tag) =	ssettag $0x1  }
0x1: {  	s1 =	rddreg [dreg:$0x0]  }
0x2: {  	s0 =	rddreg [dreg:$0x1]  }
0x3: {  	s5 =	rddreg [dreg:$0x2]  }
0x4: {  	s2 =	rddreg [dreg:$0x3]  }
0x5: {  	s3 =	rddreg [dreg:$0x4];
	s4 =	simm.s32 $0x0  }
0x6: {  	s6 =	stileid.u32;
	s11 =	srdreg.scid;
	s28 =	simm.s32 $0x100  }
0x7: {  	s29 =	simm.s32 $0x180;
	s30 =	simm.s32 $0x4200;
	s8 =	smul.u32 $0x13800, s6  }
0x8: {  	s31 =	simm.s32 $0x1;
	[smem:$0x7FF] =	sst s4;
	s9 =	smul.u32 $0x280, s6  }
0x9: {  	s10 =	sadd.s32 $0xA000, s0;
	s11 =	sand.u32 $0x1, s11;
	s13 =	smul.u32 $0x4E000, s6  }
0xa: {  	s16 =	sshll.u32 s6, $0x1;
	s21 =	sshll.u32 s6, $0x6;
	s23 =	sadd.s32 $0x138000, s2  }
0xb: {  	s24 =	sadd.s32 $0x3B600, s0;
	_ =	strace $0x80000047;
	[dreg:$0x8] =	wrdreg s23  }
0xc: {  	s14 =	ssub.s32 $0x2, s11;
	s20 =	sor.u32 s11, s16;
	[dreg:$0x9] =	wrdreg s24  }
0xd: {  	s26 =	smul.u32 $0x138800, s11;
	p0 =	seq.s32 s11, $0x1;
	s7 =	sshrl.u32 s8, $0x3  }
0xe: {  	s12 =	sshrl.u32 s9, $0x3;
	s15 =	sshrl.u32 s14, $0x1;
	s13 =	sshrl.u32 s13, $0x2  }
0xf: {  	s22 =	smul.u32 $0x2800, s20;
	s9 =	sadd.s32 s9, s3;
	s7 =	sadd.s32 s7, s0  }
0x10: {  	s12 =	sadd.s32 s12, s0;
	s18 =	ssub.s32 s14, s15;
	s13 =	sadd.s32 s13, s2  }
0x11: {  	[dreg:$0xa] =	wrdreg s9;
	s8 =	sadd.s32 s8, s26;
	s20 =	sshrl.u32 s26, $0x3  }
0x12: {  	[dreg:$0x6] =	wrdreg s13;
	s7 =	sadd.s32 $0x14600, s7;
	s25 =	sshrl.u32 s22, $0x3  }
0x13: {  	s15 =	sadd.s32 $0x14000, s12;
	s8 =	sshrl.u32 s8, $0x3;
	[dreg:$0x7] =	wrdreg s7  }
0x14: {  	s22 =	smul.u32 $0x2800, s11;
	s24 =	smax.u32 s18, $0x1;
	[dreg:$0xb] =	wrdreg s15  }
0x15: {  	s7 =	sor.u32 $0x1C07, s21;
	s16 =	sadd.s32 s0, s25;
	[dreg:$0x12] =	wrdreg s24  }
0x16: {  	s17 =	sor.u32 $0x10, s25;
	s9 =	sadd.s32 s10, s25;
	[dreg:$0xc] =	wrdreg s16  }
0x17: {  	s21 =	smul.u32 $0x5000, s6;
	s8 =	sadd.s32 s5, s8;
	[dreg:$0xd] =	wrdreg s9  }
0x18: {  	s5 =	sadd.s32 s5, s20;
	s19 =	sadd.s32 s0, s17;
	[dreg:$0xf] =	wrdreg s8  }
0x19: {  	s24 =	simm.s32 $0x7;
	s23 =	sadd.s32 s10, s17;
	[dreg:$0xe] =	wrdreg s19  }
0x1a: {  	s5 =	sadd.s32 $0x27000, s5;
	s9 =	simm.s32 $0x0;
	[dreg:$0x10] =	wrdreg s23  }
0x1b: {  	[dreg:$0x11] =	wrdreg s5;
	s5 =	simm.s32 $0x3BE00;
	s8 =	sadd.s32 s22, s21  }
0x1c: {  	s5 =	simm.s32 @!p0 $0x3B800;
	s25 =	sor.u32 $0x100, s8;
	s8 =	sor.u32 $0x180, s8  }
.Ltmp0:
0x1d: {  	p0 =	sne.s32 s6, $0x0;
	s6 =	simm.s32 $0x1BE80;
	(pc) =	sbr.rel .LBB2_1-.Ltmp0, $4  }
0x1e: {  	s19 =	sadd.s32 s5, s12;
	s26 =	sshrl.u32 s25, $0x3;
	s8 =	sshrl.u32 s8, $0x3  }
0x1f: {  	s25 =	simm.s32 $0x80;
	s5 =	simm.s32 $0x4;
	s20 =	sadd.s32 s26, s10  }
0x20: {  	s21 =	sadd.s32 s26, s0;
	s22 =	sadd.s32 s8, s10;
	s23 =	sadd.s32 s8, s0  }
0x21: {  	v0 =	vimm.f32 $1.000000000e+00;
	s0 =	simm.s32 $0x3;
	s26 =	simm.s32 $0x2;
	s8 =	simm.s32 $0x6  }
.LBB2_4:
0x22: {  	[spmem:s2] =	stream.indirect.scatter.add.f32 [tilespmem:s30], [sflag:$0x7], $0x80, s29, s25, $0xb8;
	[tilespmem:$0x1C180] =	vst v63  }
0x23: {  	_ =	swait.ge [sflag:s24], $0x4000  }
0x24: {  	[sflag:s24] =	ssyncset.done $0x0  }
0x25: {  	[sflag:s24] =	ssyncadd.s32 $0xFFFFC000  }
0x26: {  	[spmem:s3] =	stream.indirect.scatter.add.f32 [tilespmem:s6], [sflag:$0x7], $0x1, s29, s25, $0xb8;
	[tilespmem:$0x1C180] =	vst v63  }
0x27: {  	_ =	swait.ge [sflag:s24], $0x80  }
0x28: {  	[sflag:s24] =	ssyncset.done $0x0  }
0x29: {  	[sflag:s24] =	ssyncadd.s32 $0xFFFFFF80  }
0x2a: {  	[bflag:$0x0] =	sbarrier.arrive $0xFFFF  }
0x2b: {  	s13 =	rddreg [dreg:$0xf]  }
0x2c: {  	[hbm:s13], [sflag:s7] =	dma.local [spmem:s10], $0x2700  }
0x2d: {  	_ =	swait.ge [sflag:s24], $0x2700  }
0x2e: {  	[sflag:s24] =	ssyncset.done $0x0  }
0x2f: {  	s10 =	rddreg [dreg:$0x11];
	[sflag:s24] =	ssyncadd.s32 $0xFFFFD900  }
0x30: {  	[hbm:s10], [sflag:s7] =	dma.local @!p0 [spmem:s11], $0x100  }
0x31: {  	s10 =	simm.s32 @!p0 $0x7  }
0x32: {  	_ =	swait.ge @!p0 [sflag:s10], $0x100  }
0x33: {  	[sflag:s10] =	ssyncset.done @!p0 $0x0  }
0x34: {  	[sflag:s10] =	ssyncadd.s32 @!p0 $0xFFFFFF00  }
0x35: {  	[hbm:s19], [sflag:s7] =	dma.local [spmem:s12], $0x50  }
0x36: {  	_ =	swait.ge [sflag:s24], $0x50  }
0x37: {  	s9 =	sadd.s32 $0x1, s9;
	s18 =	rddreg [dreg:$0x12]  }
0x38: {  	p1 =	sne.s32 s9, s18  }
.Ltmp1:
0x39: {  	_ = 	snop;
	(pc) =	sbr.rel @!p1 .LBB2_5-.Ltmp1, $3  }
0x3a: {  	_ =	sdelay $0x1  }
0x3b: {  	[sflag:s24] =	ssyncset.done $0x0  }
0x3c: {  	[sflag:s24] =	ssyncadd.s32 $0xFFFFFFB0  }
.LBB2_1:
0x3d: {  	s10 =	rddreg [dreg:$0x6]  }
0x3e: {  	s11 =	rddreg [dreg:$0x7];
	s10 =	sshrl.u32 s10, $0x3  }
0x3f: {  	[spmem:s10], [sflag:s7] =	dma.local [hbm:s11], $0x2700  }
0x40: {  	_ =	swait.ge [sflag:s24], $0x2700  }
0x41: {  	[sflag:s24] =	ssyncset.done $0x0;
	s11 =	rddreg [dreg:$0x8]  }
0x42: {  	s12 =	rddreg [dreg:$0x9];
	[sflag:s24] =	ssyncadd.s32 $0xFFFFD900;
	s11 =	sshrl.u32 @!p0 s11, $0x3  }
0x43: {  	[spmem:s11], [sflag:s7] =	dma.local @!p0 [hbm:s12], $0x100  }
0x44: {  	s12 =	simm.s32 @!p0 $0x7  }
0x45: {  	_ =	swait.ge @!p0 [sflag:s12], $0x100  }
0x46: {  	[sflag:s12] =	ssyncset.done @!p0 $0x0;
	s13 =	rddreg [dreg:$0xa]  }
0x47: {  	[sflag:s12] =	ssyncadd.s32 @!p0 $0xFFFFFF00;
	s12 =	sshrl.u32 s13, $0x3;
	s13 =	rddreg [dreg:$0xb]  }
0x48: {  	[spmem:s12], [sflag:s7] =	dma.local [hbm:s13], $0x50  }
0x49: {  	_ =	swait.ge [sflag:s24], $0x50  }
0x4a: {  	[sflag:s24] =	ssyncset.done $0x0  }
0x4b: {  	[sflag:s24] =	ssyncadd.s32 $0xFFFFFFB0  }
0x4c: {  	[tilespmem:$0x1BE80] =	vst v0  }
0x4d: {  	[tilespmem:$0x1BE90] =	vst v0  }
0x4e: {  	[tilespmem:$0x1BEA0] =	vst v0  }
0x4f: {  	[tilespmem:$0x1BEB0] =	vst v0  }
0x50: {  	[tilespmem:$0x1BEC0] =	vst v0  }
0x51: {  	[tilespmem:$0x1BED0] =	vst v0  }
0x52: {  	[tilespmem:$0x1BEE0] =	vst v0  }
0x53: {  	[tilespmem:$0x1BEF0] =	vst v0  }
0x54: {  	[bflag:$0x0] =	sbarrier.arrive $0xFFFF  }
0x55: {  	s14 =	rddreg [dreg:$0xc]  }
0x56: {  	[tilespmem:s4], [sflag:$0x7] =	stream.linear.gather [hbm4b:s14+s4], $0x80, $0x38;
	[tilespmem:$0x1C180] =	vst v63  }
0x57: {  	_ =	swait.ge [sflag:s24], $0x80  }
0x58: {  	[sflag:s24] =	ssyncset.done $0x0  }
0x59: {  	s15 =	rddreg [dreg:$0xd];
	[sflag:s24] =	ssyncadd.s32 $0xFFFFFF80  }
0x5a: {  	[tilespmem:s25], [sflag:$0x3] =	stream.linear.gather [hbm4b:s15+s4], $0x80, $0x38;
	[tilespmem:$0x1C180] =	vst v63  }
0x5b: {  	s16 =	simm.s32 $0x200  }
0x5c: {  	[tilespmem:s16], [sflag:$0x1] =	stream.indirect.gather [hbm4b:s1+s25], $0x80, s4, s25, $0xb8;
	[tilespmem:$0x1C180] =	vst v63  }
0x5d: {  	s17 =	rddreg [dreg:$0xe]  }
0x5e: {  	[tilespmem:s28], [sflag:$0x7] =	stream.linear.gather [hbm4b:s17+s4], $0x80, $0x38;
	[tilespmem:$0x1C180] =	vst v63  }
0x5f: {  	_ =	swait.ge [sflag:s24], $0x80  }
0x60: {  	[sflag:s24] =	ssyncset.done $0x0  }
0x61: {  	s18 =	rddreg [dreg:$0x10];
	[sflag:s24] =	ssyncadd.s32 $0xFFFFFF80  }
0x62: {  	[tilespmem:s29], [sflag:$0x4] =	stream.linear.gather [hbm4b:s18+s4], $0x80, $0x38;
	[tilespmem:$0x1C180] =	vst v63  }
0x63: {  	s13 =	simm.s32 $0x0  }
0x64: {  	[tilespmem:s30], [sflag:$0x2] =	stream.indirect.gather [hbm4b:s1+s25], $0x80, s28, s25, $0xb8;
	[tilespmem:$0x1C180] =	vst v63  }
.LBB2_2:
0x65: {  	_ =	swait.ge [sflag:s31], $0x4000  }
0x66: {  	[sflag:s31] =	ssyncset.done $0x0  }
0x67: {  	[sflag:s31] =	ssyncadd.s32 $0xFFFFC000  }
0x68: {  	_ =	swait.ge [sflag:s0], $0x80  }
0x69: {  	p1 =	seq.s32 s13, $0x4E0;
	[sflag:s0] =	ssyncset.done $0x0  }
0x6a: {  	s14 =	simm.s32 @p1 $0x80;
	s15 =	simm.s32 @p1 $0x200;
	[sflag:s0] =	ssyncadd.s32 $0xFFFFFF80  }
0x6b: {  	[spmem:s2] =	stream.indirect.scatter.add.f32 @p1 [tilespmem:s15], [sflag:$0x7], $0x80, s14, s14, $0xb8;
	[tilespmem:$0x1C180] =	vst v63  }
0x6c: {  	s15 =	simm.s32 @p1 $0x7  }
0x6d: {  	_ =	swait.ge @p1 [sflag:s15], $0x4000  }
0x6e: {  	[sflag:s15] =	ssyncset.done @p1 $0x0  }
0x6f: {  	s16 =	simm.s32 @p1 $0x1BE80;
	[sflag:s15] =	ssyncadd.s32 @p1 $0xFFFFC000  }
0x70: {  	[spmem:s3] =	stream.indirect.scatter.add.f32 @p1 [tilespmem:s16], [sflag:$0x7], $0x1, s14, s14, $0xb8;
	[tilespmem:$0x1C180] =	vst v63  }
0x71: {  	_ =	swait.ge @p1 [sflag:s15], $0x80  }
0x72: {  	[sflag:s15] =	ssyncset.done @p1 $0x0  }
0x73: {  	s14 =	sadd.s32 @!p1 s13, s21;
	[sflag:s15] =	ssyncadd.s32 @p1 $0xFFFFFF80;
	s15 =	simm.s32 @!p1 $0x0  }
0x74: {  	[tilespmem:s15], [sflag:$0x5] =	stream.linear.gather @!p1 [hbm4b:s14+s15], $0x80, $0x38;
	[tilespmem:$0x1C180] =	vst v63  }
0x75: {  	s17 =	simm.s32 @!p1 $0x7;
	s16 =	simm.s32 @!p1 $0x200;
	s14 =	simm.s32 @!p1 $0x80  }
0x76: {  	[spmem:s2] =	stream.indirect.scatter.add.f32 @!p1 [tilespmem:s16], [sflag:$0x7], $0x80, s14, s14, $0xb8;
	[tilespmem:$0x1C180] =	vst v63  }
0x77: {  	_ =	swait.ge @!p1 [sflag:s17], $0x4000  }
0x78: {  	[sflag:s17] =	ssyncset.done @!p1 $0x0  }
0x79: {  	s18 =	simm.s32 @!p1 $0x1BE80;
	[sflag:s17] =	ssyncadd.s32 @!p1 $0xFFFFC000  }
0x7a: {  	[spmem:s3] =	stream.indirect.scatter.add.f32 @!p1 [tilespmem:s18], [sflag:$0x7], $0x1, s14, s14, $0xb8;
	[tilespmem:$0x1C180] =	vst v63  }
0x7b: {  	_ =	swait.ge @!p1 [sflag:s17], $0x80  }
0x7c: {  	[sflag:s17] =	ssyncset.done @!p1 $0x0  }
0x7d: {  	[sflag:s17] =	ssyncadd.s32 @!p1 $0xFFFFFF80;
	s17 =	simm.s32 @!p1 $0x5  }
0x7e: {  	_ =	swait.ge @!p1 [sflag:s17], $0x80  }
0x7f: {  	[sflag:s17] =	ssyncset.done @!p1 $0x0  }
0x80: {  	[sflag:s17] =	ssyncadd.s32 @!p1 $0xFFFFFF80  }
0x81: {  	[tilespmem:s16], [sflag:$0x1] =	stream.indirect.gather @!p1 [hbm4b:s1+s14], $0x80, s15, s14, $0xb8;
	[tilespmem:$0x1C180] =	vst v63  }
0x82: {  	s16 =	sadd.s32 @!p1 s13, s20  }
0x83: {  	[tilespmem:s14], [sflag:$0x3] =	stream.linear.gather @!p1 [hbm4b:s16+s15], $0x80, $0x38;
	[tilespmem:$0x1C180] =	vst v63  }
0x84: {  	_ =	swait.ge [sflag:s26], $0x4000  }
.Ltmp2:
0x85: {  	[sflag:s26] =	ssyncset.done $0x0;
	(pc) =	sbr.rel @p1 .LBB2_4-.Ltmp2, $4  }
0x86: {  	[sflag:s26] =	ssyncadd.s32 $0xFFFFC000  }
0x87: {  	_ =	swait.ge [sflag:s5], $0x80  }
0x88: {  	[sflag:s5] =	ssyncset.done $0x0  }
0x89: {  	[sflag:s5] =	ssyncadd.s32 $0xFFFFFF80  }
0x8a: {  	s14 =	sadd.s32 s13, s23  }
0x8b: {  	[tilespmem:s28], [sflag:$0x6] =	stream.linear.gather [hbm4b:s14+s4], $0x80, $0x38;
	[tilespmem:$0x1C180] =	vst v63  }
0x8c: {  	_ = 	snop  }
0x8d: {  	[spmem:s2] =	stream.indirect.scatter.add.f32 [tilespmem:s30], [sflag:$0x7], $0x80, s29, s25, $0xb8;
	[tilespmem:$0x1C180] =	vst v63  }
0x8e: {  	_ =	swait.ge [sflag:s24], $0x4000  }
0x8f: {  	[sflag:s24] =	ssyncset.done $0x0  }
0x90: {  	[sflag:s24] =	ssyncadd.s32 $0xFFFFC000  }
0x91: {  	[spmem:s3] =	stream.indirect.scatter.add.f32 [tilespmem:s6], [sflag:$0x7], $0x1, s29, s25, $0xb8;
	[tilespmem:$0x1C180] =	vst v63  }
0x92: {  	_ =	swait.ge [sflag:s24], $0x80  }
0x93: {  	[sflag:s24] =	ssyncset.done $0x0  }
0x94: {  	[sflag:s24] =	ssyncadd.s32 $0xFFFFFF80  }
0x95: {  	_ =	swait.ge [sflag:s8], $0x80  }
.Ltmp3:
0x96: {  	[sflag:s8] =	ssyncset.done $0x0;
	(pc) =	sbr.rel .LBB2_2-.Ltmp3, $4  }
0x97: {  	[sflag:s8] =	ssyncadd.s32 $0xFFFFFF80  }
0x98: {  	[tilespmem:s30], [sflag:$0x2] =	stream.indirect.gather [hbm4b:s1+s25], $0x80, s28, s25, $0xb8;
	[tilespmem:$0x1C180] =	vst v63  }
0x99: {  	s18 =	sadd.s32 s13, s22;
	s13 =	sadd.s32 $0x20, s13  }
0x9a: {  	[tilespmem:s29], [sflag:$0x4] =	stream.linear.gather [hbm4b:s18+s4], $0x80, $0x38;
	[tilespmem:$0x1C180] =	vst v63  }
.LBB2_5:
0x9b: {  	_ =	sfence.sel $0x180000  }
0x9c: {  	[bflag:$0x0] =	sbarrier.arrive $0xFFFF  }
0x9d: {  	_ =	strace $0x90000047  }
0x9e: {  	[bflag:$0x2] =	sbarrier.arrive $0xFFFF  }
0x9f: {  	s0 =	rddreg [dreg:$0x5]  }
0xa0: {  	s0 =	sadd.s32 @!p0 $0x100000, s0  }
0xa1: {  	[sflag:s0] =	ssyncadd.tile.s32 @!p0 $0x1;
	_ =	shalt  }
.Lfunc_end2:
_tile_overlayer_lowered:
.L_overlay_start_2:
0xa2: {  	(tag) =	ssettag $0x2  }
0xa3: {  	s0 =	rddreg [dreg:$0x0];
	s2 =	stileid.u32  }
0xa4: {  	s1 =	rddreg [dreg:$0x1];
	p0 =	sne.s32 s2, $0x0  }
0xa5: {  	s3 =	rddreg [dreg:$0x2];
	[bflag:$0x3] =	sbarrier.arrive $0xFFFF;
	s2 =	simm.s32 @!p0 $0x1C07  }
0xa6: {  	[timem:s3], [sflag:s2] =	dma.local @!p0 [hbm:s0], s1  }
0xa7: {  	s0 =	simm.s32 @!p0 $0x7  }
0xa8: {  	_ =	swait.ge @!p0 [sflag:s0], s1  }
0xa9: {  	s1 =	ssub.s32 @!p0 $0x0, s1;
	[sflag:s0] =	ssyncset.done @!p0 $0x0  }
0xaa: {  	[sflag:s0] =	ssyncadd.s32 @!p0 s1  }
0xab: {  	[bflag:$0x3] =	sbarrier.arrive $0xFFFF  }
0xac: {  	_ =	shalt  }

// kernel: kernel.9.cloned.1.call-start
scs
__scs_entry_jumppad:
0x0: {  	(pc) =	sbr.rel $0x88, $3  }
0x1: {  	(tag) =	ssettag $0x0;
	lr =	simm.s32 $0x1  }
0x2: {  	[smem:$0x3F97] =	sst lr;
	_ =	strace $0xD0000000  }
0x3: {  	_ = 	snop  }
0x4: {  	_ = 	snop  }
0x5: {  	_ = 	snop  }
0x6: {  	_ = 	snop  }
0x7: {  	_ = 	snop  }
__scs_overlays_trampoline_lowered:
0x8: {  	[smem:$0x3FA6] =	sst s0  }
0x9: {  	[smem:$0x3FA7] =	sst s1  }
0xa: {  	[smem:$0x3FA8] =	sst s2  }
0xb: {  	[smem:$0x3FA9] =	sst s3  }
0xc: {  	[smem:$0x3FAA] =	sst s4  }
0xd: {  	[smem:$0x3FAB] =	sst s5  }
0xe: {  	[smem:$0x3FAC] =	sst s6  }
0xf: {  	[smem:$0x3FAD] =	sst s7  }
0x10: {  	[smem:$0x3FAE] =	sst s8  }
0x11: {  	[smem:$0x3FAF] =	sst s9;
	s0 =	simm.s32 @!p0 $0x0  }
0x12: {  	s1 =	sld [smem:$0x3F95];
	s0 =	simm.s32 @p0 $0x1  }
0x13: {  	[smem:$0x3FB0] =	sst s0;
	s0 =	simm.s32 @!p1 $0x0  }
0x14: {  	s2 =	sld [smem:$0x3F94];
	s0 =	simm.s32 @p1 $0x1  }
0x15: {  	[smem:$0x3FB1] =	sst s0;
	s0 =	simm.s32 @!p2 $0x0  }
0x16: {  	s3 =	sld [smem:$0x3FDB];
	s0 =	simm.s32 @p2 $0x1  }
0x17: {  	s4 =	simm.s32 $0x1BF5;
	[smem:$0x3FB3] =	sst s0  }
0x18: {  	s0 =	sld [smem:$0x3F96];
	_ =	swait.ge [sflag:s4], $0x0  }
0x19: {  	s7 =	sld [smem:$0x3F97]  }
0x1a: {  	s8 =	sadd.s32 $0xFFFFE003, lr  }
0x1b: {  	s9 =	sadd.s32 $0xFFFFFEF7, lr;
	s5 =	simm.s32 $0xFFFFFFFF;
	p2 =	slt.u32 s8, $0xFFFFF086  }
0x1c: {  	p1 =	slt.u32 s9, $0xF7A;
	s5 =	simm.s32 @!p2 $0x0  }
0x1d: {  	s5 =	simm.s32 @p1 $0x1;
	p0 =	seq.s32 s7, s2  }
0x1e: {  	s7 =	smul.u32 @!p0 $0xF7A, s2;
	p2 =	seq.s32 @!p0 s5, $0x0  }
0x1f: {  	s9 =	smul.u32 $0xF7A, s1;
	s8 =	simm.s32 @!p0 $0x1BF5;
	p2 =	por !p2, p0  }
0x20: {  	[sflag:s8] =	ssyncset.s32 @!p0 $0xFFFFF086;
	s6 =	sadd.s32 @!p0 s3, s7;
	s7 =	simm.s32 @!p0 $0x108  }
0x21: {  	s3 =	sadd.s32 s3, s9;
	s6 =	sadd.s32 @!p0 $0x88, s6;
	s7 =	simm.s32 @p2 $0x1082  }
0x22: {  	[simem:s7], [sflag:s8] =	dma.local @!p0 [hbm:s6], $0xF7A  }
0x23: {  	s9 =	sor.u32 $0xD0000000, s2;
	s6 =	simm.s32 $0x108;
	_ =	swait.ge @!p0 [sflag:s8], $0x0  }
0x24: {  	s3 =	sadd.s32 $0x88, s3;
	s6 =	simm.s32 @!p1 $0x1082;
	[sflag:s4] =	ssyncset.s32 $0xFFFFF086  }
0x25: {  	[simem:s6], [sflag:s4] =	dma.local [hbm:s3], $0xF7A  }
0x26: {  	[smem:$0x3F97] =	sst s1;
	(tag) =	ssettag s2;
	_ =	strace s9  }
0x27: {  	s1 =	sld [smem:$0x3FA7]  }
0x28: {  	s2 =	sld [smem:$0x3FA8]  }
0x29: {  	s4 =	sld [smem:$0x3FAA]  }
0x2a: {  	p0 =	seq.s32 s5, $0x0;
	s5 =	sld [smem:$0x3FAB]  }
0x2b: {  	s6 =	sld [smem:$0x3FAC]  }
0x2c: {  	s7 =	sld [smem:$0x3FAD]  }
0x2d: {  	s3 =	simm.s32 $0x108;
	s8 =	sld [smem:$0x3FAE]  }
0x2e: {  	s3 =	simm.s32 @!p0 $0x1082;
	s9 =	sld [smem:$0x3FAF]  }
0x2f: {  	lr =	sadd.s32 s0, s3;
	s0 =	sld [smem:$0x3FA6]  }
0x30: {  	s3 =	sld [smem:$0x3FA9]  }
0x31: {  	[smem:$0x3FB2] =	sst s10  }
0x32: {  	s10 =	sld [smem:$0x3FB0];
	_ =	sdelay $0x3  }
0x33: {  	p0 =	seq.s32 s10, $0x1;
	s10 =	sld [smem:$0x3FB2];
	_ =	sdelay $0x3  }
0x34: {  	[smem:$0x3FB2] =	sst s10  }
0x35: {  	s10 =	sld [smem:$0x3FB1];
	_ =	sdelay $0x3  }
0x36: {  	p1 =	seq.s32 s10, $0x1;
	s10 =	sld [smem:$0x3FB2];
	_ =	sdelay $0x3  }
0x37: {  	[smem:$0x3FB2] =	sst s10  }
0x38: {  	s10 =	sld [smem:$0x3FB3]  }
0x39: {  	_ = 	snop;
	(pc) =	sbr.ind lr, $3  }
0x3a: {  	_ = 	snop  }
0x3b: {  	_ = 	snop  }
0x3c: {  	p2 =	seq.s32 s10, $0x1;
	s10 =	sld [smem:$0x3FB2]  }
0x3d: {  	_ =	shalt  }
0x3e: {  	_ =	shalt  }
0x3f: {  	_ =	shalt  }
0x40: {  	_ =	shalt  }
0x41: {  	_ =	shalt  }
0x42: {  	_ =	shalt  }
0x43: {  	_ =	shalt  }
0x44: {  	_ =	shalt  }
0x45: {  	_ =	shalt  }
0x46: {  	_ =	shalt  }
0x47: {  	_ =	shalt  }
0x48: {  	_ =	shalt  }
0x49: {  	_ =	shalt  }
0x4a: {  	_ =	shalt  }
0x4b: {  	_ =	shalt  }
0x4c: {  	_ =	shalt  }
0x4d: {  	_ =	shalt  }
0x4e: {  	_ =	shalt  }
0x4f: {  	_ =	shalt  }
0x50: {  	_ =	shalt  }
0x51: {  	_ =	shalt  }
0x52: {  	_ =	shalt  }
0x53: {  	_ =	shalt  }
0x54: {  	_ =	shalt  }
0x55: {  	_ =	shalt  }
0x56: {  	_ =	shalt  }
0x57: {  	_ =	shalt  }
0x58: {  	_ =	shalt  }
0x59: {  	_ =	shalt  }
0x5a: {  	_ =	shalt  }
0x5b: {  	_ =	shalt  }
0x5c: {  	_ =	shalt  }
0x5d: {  	_ =	shalt  }
0x5e: {  	_ =	shalt  }
0x5f: {  	_ =	shalt  }
0x60: {  	_ =	shalt  }
0x61: {  	_ =	shalt  }
0x62: {  	_ =	shalt  }
0x63: {  	_ =	shalt  }
0x64: {  	_ =	shalt  }
0x65: {  	_ =	shalt  }
0x66: {  	_ =	shalt  }
0x67: {  	_ =	shalt  }
0x68: {  	_ =	shalt  }
0x69: {  	_ =	shalt  }
0x6a: {  	_ =	shalt  }
0x6b: {  	_ =	shalt  }
0x6c: {  	_ =	shalt  }
0x6d: {  	_ =	shalt  }
0x6e: {  	_ =	shalt  }
0x6f: {  	_ =	shalt  }
0x70: {  	_ =	shalt  }
0x71: {  	_ =	shalt  }
0x72: {  	_ =	shalt  }
0x73: {  	_ =	shalt  }
0x74: {  	_ =	shalt  }
0x75: {  	_ =	shalt  }
0x76: {  	_ =	shalt  }
0x77: {  	_ =	shalt  }
0x78: {  	_ =	shalt  }
0x79: {  	_ =	shalt  }
0x7a: {  	_ =	shalt  }
0x7b: {  	_ =	shalt  }
0x7c: {  	_ =	shalt  }
0x7d: {  	_ =	shalt  }
0x7e: {  	_ =	shalt  }
0x7f: {  	_ =	shalt  }
0x80: {  	_ =	shalt  }
0x81: {  	_ =	shalt  }
0x82: {  	_ =	shalt  }
0x83: {  	_ =	shalt  }
0x84: {  	_ =	shalt  }
0x85: {  	_ =	shalt  }
0x86: {  	_ =	shalt  }
0x87: {  	_ =	shalt  }
.Lfunc_end0:
.L_simem_size_0:
called_computation.1_lowered:
.L_overlay_start_0:
0x88: {  	s2 =	sld [smem:$0x3FD9]  }
0x89: {  	s3 =	sld [smem:$0x3FFE];
	_ =	sdelay $0x1  }
0x8a: {  	s1 =	srdreg.scid  }
0x8b: {  	s0 =	sand.u32 $0x1, s1  }
0x8c: {  	s17 =	sshll.u32 s0, $0xA;
	s2 =	sadd.s32 s3, s2  }
0x8d: {  	s2 =	sadd.s32 s2, s17  }
0x8e: {  	[smem:$0x3FBE] =	sst s2  }
0x8f: {  	_ = 	snop  }
0x90: {  	s2 =	sld [smem:$0x3FD0];
	(tm) =	ssettm $0x1  }
0x91: {  	s18 =	sld [smem:$0x3FFB];
	_ =	sdelay $0x3  }
0x92: {  	_ =	strace s18  }
0x93: {  	s3 =	sld [smem:$0x3FFC];
	_ =	sdelay $0x3  }
0x94: {  	_ =	strace s3  }
0x95: {  	s3 =	sld [smem:$0x3FFD];
	_ =	sdelay $0x3  }
0x96: {  	_ =	strace s3  }
0x97: {  	_ =	strace $0x8FFFFFFF  }
0x98: {  	s19 =	sld [smem:$0x3FDB];
	_ =	sdelay $0x1  }
0x99: {  	s4 =	simm.s32 $_scs_section_size  }
0x9a: {  	s5 =	simm.s32 $_size__tile_overlayer_lowered;
	s6 =	simm.s32 $_tile_overlayer_lowered  }
0x9b: {  	s22 =	simm.s32 $0x1BFF;
	s21 =	sshll.u32 s6, $0x1;
	s3 =	sadd.s32 s4, s19  }
0x9c: {  	s7 =	simm.s32 $0x0;
	s20 =	sshll.u32 s5, $0x1;
	s5 =	sadd.s32 s21, s3  }
0x9d: {  	[timem:s7], [sflag:s22] =	dma.local [hbm:s5], s20  }
0x9e: {  	_ =	swait.ge [sflag:s22], s20  }
0x9f: {  	s4 =	ssub.s32 $0x0, s20;
	[sflag:s22] =	ssyncset.done $0x0  }
0xa0: {  	[sflag:s22] =	ssyncadd.s32 s4;
	_ =	sdelay $0x1  }
0xa1: {  	s23 =	simm.s32 $0x1B8B  }
0xa2: {  	_ =	swait.ge [sflag:s23], $0x1  }
0xa3: {  	[sflag:s23] =	ssyncset.done $0x0  }
0xa4: {  	s25 =	simm.s32 $0x1B8E;
	s24 =	sld [smem:$0x3FFE];
	[sflag:s23] =	ssyncadd.s32 $0xFFFFFFFF  }
0xa5: {  	s26 =	simm.s32 $execute0_lowered;
	[smem:$0x3FD2] =	sst s25  }
0xa6: {  	s5 =	sshll.u32 s26, $0x1;
	_ =	strace $0x80000049;
	[dreg:$0x1] =	wrdreg $0xFFFFFFFF  }
0xa7: {  	s28 =	simm.s32 $_size_execute0_lowered;
	s3 =	sadd.s32 s3, s5;
	[dreg:$0x0] =	wrdreg $0x0  }
0xa8: {  	s5 =	sshll.u32 s28, $0x1;
	[dreg:$0x2] =	wrdreg s3  }
0xa9: {  	[dreg:$0x3] =	wrdreg s5  }
0xaa: {  	[dreg:$0x4] =	wrdreg $0xC0  }
0xab: {  	_ =	task [dreg:s7], $0x5FFFF  }
0xac: {  	[dreg:$0x1] =	wrdreg $0xFFFFFFFF  }
0xad: {  	[dreg:$0x0] =	wrdreg $0x60  }
0xae: {  	[dreg:$0x2] =	wrdreg s24  }
0xaf: {  	[dreg:$0x3] =	wrdreg s2  }
0xb0: {  	[dreg:$0x4] =	wrdreg $0x82000  }
0xb1: {  	[dreg:$0x5] =	wrdreg $0x9  }
0xb2: {  	_ =	task.clear_ibuf [dreg:s7], $0x6FFFF;
	_ =	strace $0x90000049  }
0xb3: {  	s29 =	simm.s32 $0x9;
	_ =	strace $0x8000004B  }
0xb4: {  	_ =	swait.ge [sflag:s29], $0x1  }
0xb5: {  	[sflag:s29] =	ssyncadd.s32 $0xFFFFFFFF  }
0xb6: {  	_ =	strace $0x9000004B  }
0xb7: {  	_ =	sfence  }
0xb8: {  	s30 =	sld [smem:$0x0];
	_ =	sdelay $0x2  }
0xb9: {  	s31 =	sshll.u32 s1, $0xD;
	s1 =	sshrl.u32 s1, $0x2  }
0xba: {  	s3 =	sand.u32 $0x4000, s31;
	s1 =	sadd.s32 s1, s30  }
0xbb: {  	s0 =	sor.u32 s3, s0;
	s1 =	sshll.u32 s1, $0x11  }
0xbc: {  	s0 =	sor.u32 s1, s0  }
0xbd: {  	s0 =	sadd.s32 $0x8F2B, s0  }
0xbe: {  	[sflag:s0] =	ssyncadd.remote.s32 $0x1  }
0xbf: {  	_ =	sfence.sel $0xFFFF  }
0xc0: {  	[dreg:$0x0] =	wrdreg $0xFFFFFFFF;
	(pc) =	sbr.abs _section_cstart, $3  }
0xc1: {  	[dreg:$0x1] =	wrdreg $0xFFFFFFFF  }
0xc2: {  	_ =	task.clear_ibuf [dreg:s7], $0x2FFFF;
	_ =	strace $0x9FFFFFFF  }
0xc3: {  	(tm) =	ssettm $0x7FFFFFFF  }
tec
execute0_lowered:
.L_overlay_start_1:
0x0: {  	(tag) =	ssettag $0x1  }
0x1: {  	s0 =	rddreg [dreg:$0x0]  }
0x2: {  	s4 =	rddreg [dreg:$0x1]  }
0x3: {  	s1 =	rddreg [dreg:$0x2];
	s2 =	simm.s32 $0x0  }
0x4: {  	s5 =	stileid.u32;
	s6 =	srdreg.scid;
	s28 =	simm.s32 $0x3  }
0x5: {  	s29 =	simm.s32 $0x5;
	s30 =	simm.s32 $0x2;
	s31 =	simm.s32 $0x4  }
0x6: {  	[smem:$0x7FF] =	sst s2;
	s7 =	smul.u32 $0x13800, s5;
	s3 =	sadd.s32 $0x8A800, s0  }
0x7: {  	s8 =	sadd.s32 $0xA000, s0;
	s12 =	sand.u32 $0x1, s6;
	s10 =	sshll.u32 s5, $0x1  }
0x8: {  	s11 =	smul.u32 $0x4E000, s5;
	s17 =	sshll.u32 s5, $0x6;
	s18 =	sadd.s32 $0x138000, s1  }
0x9: {  	s20 =	sadd.s32 $0x3B600, s0;
	p0 =	sne.s32 s5, $0x0;
	_ =	strace $0x8000004A  }
0xa: {  	s6 =	ssub.s32 $0x2, s12;
	s10 =	sor.u32 s12, s10;
	[dreg:$0x6] =	wrdreg s18  }
0xb: {  	[dreg:$0x7] =	wrdreg s20;
	s22 =	smul.u32 $0x138800, s12;
	s20 =	simm.s32 $0x7  }
0xc: {  	s9 =	sshrl.u32 s7, $0x3;
	s13 =	sshrl.u32 s6, $0x1;
	s14 =	sshrl.u32 s11, $0x2  }
0xd: {  	s10 =	smul.u32 $0x2800, s10;
	s9 =	sadd.s32 s9, s0;
	s15 =	ssub.s32 s6, s13  }
0xe: {  	s6 =	sadd.s32 s14, s1;
	s14 =	smul.u32 $0x5000, s5;
	s7 =	sadd.s32 s7, s22  }
0xf: {  	s24 =	sshrl.u32 s22, $0x3;
	s22 =	simm.s32 $0x200;
	[dreg:$0x4] =	wrdreg s6  }
0x10: {  	s16 =	sadd.s32 $0x14600, s9;
	s6 =	sor.u32 $0x1C07, s17;
	s19 =	sshrl.u32 s10, $0x3  }
0x11: {  	s7 =	sshrl.u32 s7, $0x3;
	s15 =	smax.u32 s15, $0x1;
	[dreg:$0x5] =	wrdreg s16  }
0x12: {  	s21 =	sadd.s32 s0, s19;
	s23 =	sadd.s32 s8, s19;
	s9 =	sor.u32 $0x10, s19  }
0x13: {  	s16 =	smul.u32 $0x2800, s12;
	s13 =	sadd.s32 s4, s7;
	[dreg:$0x8] =	wrdreg s21  }
0x14: {  	s4 =	sadd.s32 s4, s24;
	s24 =	simm.s32 $0x180;
	[dreg:$0x9] =	wrdreg s23  }
0x15: {  	s11 =	sadd.s32 s0, s9;
	s12 =	sadd.s32 s8, s9;
	s21 =	simm.s32 $0x80  }
0x16: {  	s23 =	simm.s32 $0x100;
	s25 =	sadd.s32 s16, s14;
	s14 =	sadd.s32 $0x27000, s4  }
0x17: {  	s26 =	sor.u32 $0x100, s25;
	s7 =	sor.u32 $0x180, s25;
	s25 =	simm.s32 $0x4200  }
0x18: {  	s4 =	sshrl.u32 s26, $0x3;
	s7 =	sshrl.u32 s7, $0x3;
	s26 =	simm.s32 $0x1  }
0x19: {  	s16 =	sadd.s32 s4, s8;
	s17 =	sadd.s32 s4, s0;
	s18 =	sadd.s32 s7, s8  }
0x1a: {  	s19 =	sadd.s32 s7, s0;
	s0 =	simm.s32 $0x6;
	s4 =	simm.s32 $0x0  }
.LBB2_1:
0x1b: {  	s5 =	rddreg [dreg:$0x4]  }
0x1c: {  	s7 =	rddreg [dreg:$0x5];
	s5 =	sshrl.u32 s5, $0x3  }
0x1d: {  	[spmem:s5], [sflag:s6] =	dma.local [hbm:s7], $0x2700  }
0x1e: {  	_ =	swait.ge [sflag:s20], $0x2700  }
0x1f: {  	[sflag:s20] =	ssyncset.done $0x0;
	s7 =	rddreg [dreg:$0x6]  }
0x20: {  	s8 =	rddreg [dreg:$0x7];
	[sflag:s20] =	ssyncadd.s32 $0xFFFFD900;
	s7 =	sshrl.u32 @!p0 s7, $0x3  }
0x21: {  	[spmem:s7], [sflag:s6] =	dma.local @!p0 [hbm:s8], $0x100  }
0x22: {  	s8 =	simm.s32 @!p0 $0x7  }
0x23: {  	_ =	swait.ge @!p0 [sflag:s8], $0x100  }
0x24: {  	[sflag:s8] =	ssyncset.done @!p0 $0x0  }
0x25: {  	[sflag:s8] =	ssyncadd.s32 @!p0 $0xFFFFFF00  }
0x26: {  	[bflag:$0x0] =	sbarrier.arrive $0xFFFF  }
0x27: {  	s10 =	rddreg [dreg:$0x8]  }
0x28: {  	[tilespmem:s2], [sflag:$0x7] =	stream.linear.gather [hbm4b:s10+s2], $0x80, $0x38;
	[tilespmem:$0x1BE80] =	vst v63  }
0x29: {  	_ =	swait.ge [sflag:s20], $0x80  }
0x2a: {  	[sflag:s20] =	ssyncset.done $0x0  }
0x2b: {  	s9 =	rddreg [dreg:$0x9];
	[sflag:s20] =	ssyncadd.s32 $0xFFFFFF80  }
0x2c: {  	[tilespmem:s21], [sflag:$0x3] =	stream.linear.gather [hbm4b:s9+s2], $0x80, $0x38;
	[tilespmem:$0x1BE80] =	vst v63  }
0x2d: {  	_ = 	snop  }
0x2e: {  	[tilespmem:s22], [sflag:$0x1] =	stream.indirect.gather [hbm4b:s3+s21], $0x80, s2, s21, $0xb8;
	[tilespmem:$0x1BE80] =	vst v63  }
0x2f: {  	_ = 	snop  }
0x30: {  	[tilespmem:s23], [sflag:$0x7] =	stream.linear.gather [hbm4b:s11+s2], $0x80, $0x38;
	[tilespmem:$0x1BE80] =	vst v63  }
0x31: {  	_ =	swait.ge [sflag:s20], $0x80  }
0x32: {  	[sflag:s20] =	ssyncset.done $0x0  }
0x33: {  	[sflag:s20] =	ssyncadd.s32 $0xFFFFFF80  }
0x34: {  	[tilespmem:s24], [sflag:$0x4] =	stream.linear.gather [hbm4b:s12+s2], $0x80, $0x38;
	[tilespmem:$0x1BE80] =	vst v63  }
0x35: {  	_ = 	snop  }
0x36: {  	[tilespmem:s25], [sflag:$0x2] =	stream.indirect.gather [hbm4b:s3+s21], $0x80, s23, s21, $0xb8;
	[tilespmem:$0x1BE80] =	vst v63  }
0x37: {  	_ =	swait.ge [sflag:s26], $0x4000  }
0x38: {  	[sflag:s26] =	ssyncset.done $0x0  }
0x39: {  	[sflag:s26] =	ssyncadd.s32 $0xFFFFC000  }
0x3a: {  	_ =	swait.ge [sflag:s28], $0x80  }
0x3b: {  	[sflag:s28] =	ssyncset.done $0x0  }
0x3c: {  	s10 =	sadd.s32 $0x0, s17;
	[sflag:s28] =	ssyncadd.s32 $0xFFFFFF80  }
0x3d: {  	[tilespmem:s2], [sflag:$0x5] =	stream.linear.gather [hbm4b:s10+s2], $0x80, $0x38;
	[tilespmem:$0x1BE80] =	vst v63  }
0x3e: {  	_ = 	snop  }
0x3f: {  	[spmem:s1] =	stream.indirect.scatter.add.f32 [tilespmem:s22], [sflag:$0x7], $0x80, s21, s21, $0xb8;
	[tilespmem:$0x1BE80] =	vst v63  }
0x40: {  	_ =	swait.ge [sflag:s20], $0x4000  }
0x41: {  	[sflag:s20] =	ssyncset.done $0x0  }
0x42: {  	[sflag:s20] =	ssyncadd.s32 $0xFFFFC000  }
0x43: {  	_ =	swait.ge [sflag:s29], $0x80  }
0x44: {  	[sflag:s29] =	ssyncset.done $0x0  }
0x45: {  	[sflag:s29] =	ssyncadd.s32 $0xFFFFFF80  }
0x46: {  	[tilespmem:s22], [sflag:$0x1] =	stream.indirect.gather [hbm4b:s3+s21], $0x80, s2, s21, $0xb8;
	[tilespmem:$0x1BE80] =	vst v63  }
0x47: {  	s9 =	sadd.s32 $0x0, s16  }
0x48: {  	[tilespmem:s21], [sflag:$0x3] =	stream.linear.gather [hbm4b:s9+s2], $0x80, $0x38;
	[tilespmem:$0x1BE80] =	vst v63  }
0x49: {  	_ =	swait.ge [sflag:s30], $0x4000  }
0x4a: {  	[sflag:s30] =	ssyncset.done $0x0  }
0x4b: {  	[sflag:s30] =	ssyncadd.s32 $0xFFFFC000  }
0x4c: {  	_ =	swait.ge [sflag:s31], $0x80  }
0x4d: {  	[sflag:s31] =	ssyncset.done $0x0  }
0x4e: {  	s10 =	sadd.s32 $0x0, s19;
	[sflag:s31] =	ssyncadd.s32 $0xFFFFFF80  }
0x4f: {  	[tilespmem:s23], [sflag:$0x6] =	stream.linear.gather [hbm4b:s10+s2], $0x80, $0x38;
	[tilespmem:$0x1BE80] =	vst v63  }
0x50: {  	_ = 	snop  }
0x51: {  	[spmem:s1] =	stream.indirect.scatter.add.f32 [tilespmem:s25], [sflag:$0x7], $0x80, s24, s21, $0xb8;
	[tilespmem:$0x1BE80] =	vst v63  }
0x52: {  	_ =	swait.ge [sflag:s20], $0x4000  }
0x53: {  	[sflag:s20] =	ssyncset.done $0x0  }
0x54: {  	[sflag:s20] =	ssyncadd.s32 $0xFFFFC000  }
0x55: {  	_ =	swait.ge [sflag:s0], $0x80  }
0x56: {  	[sflag:s0] =	ssyncset.done $0x0  }
0x57: {  	s8 =	simm.s32 $0x20;
	s9 =	sadd.s32 $0x0, s18;
	[sflag:s0] =	ssyncadd.s32 $0xFFFFFF80  }
0x58: {  	[tilespmem:s25], [sflag:$0x2] =	stream.indirect.gather [hbm4b:s3+s21], $0x80, s23, s21, $0xb8;
	[tilespmem:$0x1BE80] =	vst v63  }
.LBB2_2:
0x59: {  	[tilespmem:s24], [sflag:$0x4] =	stream.linear.gather [hbm4b:s9+s2], $0x80, $0x38;
	[tilespmem:$0x1BE80] =	vst v63  }
0x5a: {  	s9 =	smov.u32 s8  }
0x5b: {  	p1 =	sne.s32 s8, $0x4C0;
	s8 =	sadd.s32 $0x20, s8;
	_ =	swait.ge [sflag:s26], $0x4000  }
0x5c: {  	[sflag:s26] =	ssyncset.done $0x0  }
0x5d: {  	[sflag:s26] =	ssyncadd.s32 $0xFFFFC000  }
0x5e: {  	_ =	swait.ge [sflag:s28], $0x80  }
0x5f: {  	[sflag:s28] =	ssyncset.done $0x0  }
0x60: {  	s10 =	sadd.s32 s9, s17;
	[sflag:s28] =	ssyncadd.s32 $0xFFFFFF80  }
0x61: {  	[tilespmem:s2], [sflag:$0x5] =	stream.linear.gather [hbm4b:s10+s2], $0x80, $0x38;
	[tilespmem:$0x1BE80] =	vst v63  }
0x62: {  	_ = 	snop  }
0x63: {  	[spmem:s1] =	stream.indirect.scatter.add.f32 [tilespmem:s22], [sflag:$0x7], $0x80, s21, s21, $0xb8;
	[tilespmem:$0x1BE80] =	vst v63  }
0x64: {  	_ =	swait.ge [sflag:s20], $0x4000  }
0x65: {  	[sflag:s20] =	ssyncset.done $0x0  }
0x66: {  	[sflag:s20] =	ssyncadd.s32 $0xFFFFC000  }
0x67: {  	_ =	swait.ge [sflag:s29], $0x80  }
0x68: {  	[sflag:s29] =	ssyncset.done $0x0  }
0x69: {  	[sflag:s29] =	ssyncadd.s32 $0xFFFFFF80  }
0x6a: {  	[tilespmem:s22], [sflag:$0x1] =	stream.indirect.gather [hbm4b:s3+s21], $0x80, s2, s21, $0xb8;
	[tilespmem:$0x1BE80] =	vst v63  }
0x6b: {  	s10 =	sadd.s32 s9, s16  }
0x6c: {  	[tilespmem:s21], [sflag:$0x3] =	stream.linear.gather [hbm4b:s10+s2], $0x80, $0x38;
	[tilespmem:$0x1BE80] =	vst v63  }
0x6d: {  	_ =	swait.ge [sflag:s30], $0x4000  }
0x6e: {  	[sflag:s30] =	ssyncset.done $0x0  }
0x6f: {  	[sflag:s30] =	ssyncadd.s32 $0xFFFFC000  }
0x70: {  	_ =	swait.ge [sflag:s31], $0x80  }
0x71: {  	[sflag:s31] =	ssyncset.done $0x0  }
0x72: {  	s10 =	sadd.s32 s9, s19;
	[sflag:s31] =	ssyncadd.s32 $0xFFFFFF80  }
0x73: {  	[tilespmem:s23], [sflag:$0x6] =	stream.linear.gather [hbm4b:s10+s2], $0x80, $0x38;
	[tilespmem:$0x1BE80] =	vst v63  }
0x74: {  	_ = 	snop  }
0x75: {  	[spmem:s1] =	stream.indirect.scatter.add.f32 [tilespmem:s25], [sflag:$0x7], $0x80, s24, s21, $0xb8;
	[tilespmem:$0x1BE80] =	vst v63  }
0x76: {  	_ =	swait.ge [sflag:s20], $0x4000  }
0x77: {  	[sflag:s20] =	ssyncset.done $0x0  }
0x78: {  	[sflag:s20] =	ssyncadd.s32 $0xFFFFC000  }
.Ltmp0:
0x79: {  	_ =	swait.ge [sflag:s0], $0x80;
	(pc) =	sbr.rel @p1 .LBB2_2-.Ltmp0, $4  }
0x7a: {  	[sflag:s0] =	ssyncset.done $0x0  }
0x7b: {  	[sflag:s0] =	ssyncadd.s32 $0xFFFFFF80  }
0x7c: {  	[tilespmem:s25], [sflag:$0x2] =	stream.indirect.gather [hbm4b:s3+s21], $0x80, s23, s21, $0xb8;
	[tilespmem:$0x1BE80] =	vst v63  }
0x7d: {  	s9 =	sadd.s32 s9, s18  }
0x7e: {  	[tilespmem:s24], [sflag:$0x4] =	stream.linear.gather [hbm4b:s9+s2], $0x80, $0x38;
	[tilespmem:$0x1BE80] =	vst v63  }
0x7f: {  	_ =	swait.ge [sflag:s26], $0x4000  }
0x80: {  	[sflag:s26] =	ssyncset.done $0x0  }
0x81: {  	[sflag:s26] =	ssyncadd.s32 $0xFFFFC000  }
0x82: {  	_ =	swait.ge [sflag:s28], $0x80  }
0x83: {  	[sflag:s28] =	ssyncset.done $0x0  }
0x84: {  	[sflag:s28] =	ssyncadd.s32 $0xFFFFFF80  }
0x85: {  	[spmem:s1] =	stream.indirect.scatter.add.f32 [tilespmem:s22], [sflag:$0x7], $0x80, s21, s21, $0xb8;
	[tilespmem:$0x1BE80] =	vst v63  }
0x86: {  	_ =	swait.ge [sflag:s20], $0x4000  }
0x87: {  	[sflag:s20] =	ssyncset.done $0x0  }
0x88: {  	[sflag:s20] =	ssyncadd.s32 $0xFFFFC000  }
0x89: {  	_ =	swait.ge [sflag:s30], $0x4000  }
0x8a: {  	[sflag:s30] =	ssyncset.done $0x0  }
0x8b: {  	[sflag:s30] =	ssyncadd.s32 $0xFFFFC000  }
0x8c: {  	_ =	swait.ge [sflag:s31], $0x80  }
0x8d: {  	[sflag:s31] =	ssyncset.done $0x0  }
0x8e: {  	[sflag:s31] =	ssyncadd.s32 $0xFFFFFF80  }
0x8f: {  	[spmem:s1] =	stream.indirect.scatter.add.f32 [tilespmem:s25], [sflag:$0x7], $0x80, s24, s21, $0xb8;
	[tilespmem:$0x1BE80] =	vst v63  }
0x90: {  	_ =	swait.ge [sflag:s20], $0x4000  }
0x91: {  	[sflag:s20] =	ssyncset.done $0x0  }
0x92: {  	[sflag:s20] =	ssyncadd.s32 $0xFFFFC000  }
0x93: {  	[bflag:$0x0] =	sbarrier.arrive $0xFFFF  }
0x94: {  	[hbm:s13], [sflag:s6] =	dma.local [spmem:s5], $0x2700  }
0x95: {  	s4 =	sadd.s32 $0x1, s4;
	_ =	swait.ge [sflag:s20], $0x2700  }
0x96: {  	p1 =	sne.s32 s4, s15;
	[sflag:s20] =	ssyncset.done $0x0  }
.Ltmp1:
0x97: {  	s5 =	simm.s32 @!p0 $0x7;
	[sflag:s20] =	ssyncadd.s32 $0xFFFFD900;
	(pc) =	sbr.rel @p1 .LBB2_1-.Ltmp1, $4  }
0x98: {  	[hbm:s14], [sflag:s6] =	dma.local @!p0 [spmem:s7], $0x100  }
0x99: {  	_ =	swait.ge @!p0 [sflag:s5], $0x100  }
0x9a: {  	[sflag:s5] =	ssyncset.done @!p0 $0x0  }
0x9b: {  	[sflag:s5] =	ssyncadd.s32 @!p0 $0xFFFFFF00  }
0x9c: {  	_ =	sfence.sel $0x180000  }
0x9d: {  	[bflag:$0x0] =	sbarrier.arrive $0xFFFF  }
0x9e: {  	_ =	strace $0x9000004A  }
0x9f: {  	[bflag:$0x2] =	sbarrier.arrive $0xFFFF  }
0xa0: {  	s0 =	rddreg [dreg:$0x3]  }
0xa1: {  	s0 =	sadd.s32 @!p0 $0x100000, s0  }
0xa2: {  	[sflag:s0] =	ssyncadd.tile.s32 @!p0 $0x1;
	_ =	shalt  }
.Lfunc_end2:
_tile_overlayer_lowered:
.L_overlay_start_2:
0xa3: {  	(tag) =	ssettag $0x2  }
0xa4: {  	s0 =	rddreg [dreg:$0x0];
	s2 =	stileid.u32  }
0xa5: {  	s1 =	rddreg [dreg:$0x1];
	p0 =	sne.s32 s2, $0x0  }
0xa6: {  	s3 =	rddreg [dreg:$0x2];
	[bflag:$0x3] =	sbarrier.arrive $0xFFFF;
	s2 =	simm.s32 @!p0 $0x1C07  }
0xa7: {  	[timem:s3], [sflag:s2] =	dma.local @!p0 [hbm:s0], s1  }
0xa8: {  	s0 =	simm.s32 @!p0 $0x7  }
0xa9: {  	_ =	swait.ge @!p0 [sflag:s0], s1  }
0xaa: {  	s1 =	ssub.s32 @!p0 $0x0, s1;
	[sflag:s0] =	ssyncset.done @!p0 $0x0  }
0xab: {  	[sflag:s0] =	ssyncadd.s32 @!p0 s1  }
0xac: {  	[bflag:$0x3] =	sbarrier.arrive $0xFFFF  }
0xad: {  	_ =	shalt  }

</sc_bundles>
